<compile_context>
chip_gen: v7x
topology: tpu7x:2x2x1
jax: 0.10.2.dev20260603
libtpu: 0.0.44.dev20260713+nightly
codegen_flags: <defaults>
</compile_context>

<pallas_src>
import jax
import jax.numpy as jnp
from jax import lax
from jax.experimental import pallas as pl
from jax.experimental.pallas import tpu as pltpu
from jax.experimental.pallas import tpu_sc as plsc

_BATCH = 16384
_NCOLS = 2048
_NGROUPS = 32
_GSIZE = 4
_USED = _NGROUPS * _GSIZE

_INFO = plsc.get_sparse_core_info()
_NC = _INFO.num_cores
_NS = _INFO.num_subcores
_LANES = _INFO.num_lanes
_NW = _NC * _NS

_SC_ROWS = 4096
_TC_ROWS = _BATCH - _SC_ROWS
_ROWS_PER_W = _SC_ROWS // _NW
_NCHUNK = 4
_CH = _ROWS_PER_W // _NCHUNK

_NSTREAM = 8
_TC_BLK = 512
_OBLK = _NSTREAM * _TC_BLK
_TC_GRID = _TC_ROWS // _OBLK


def _sc_body(x_hbm, out_hbm, xbuf, obuf, in_sems, out_sems):
    wid = lax.axis_index("s") * _NC + lax.axis_index("c")
    base = _TC_ROWS + wid * _ROWS_PER_W

    in_copies = [
        pltpu.async_copy(
            x_hbm.at[pl.ds(base + k * _CH, _CH), pl.ds(0, _USED)],
            xbuf.at[pl.ds(k * _CH, _CH)],
            in_sems.at[k],
        )
        for k in range(_NCHUNK)
    ]

    lane = lax.iota(jnp.int32, _LANES)
    cols = [
        [lane * _GSIZE + (b * _LANES * _GSIZE + j) for j in range(_GSIZE)]
        for b in range(_NGROUPS // _LANES)
    ]
    scale = jnp.float32(1.0 / _GSIZE)

    def row_step(r, carry):
        row = xbuf.at[r]
        for b in range(_NGROUPS // _LANES):
            acc = plsc.load_gather(row, [cols[b][0]])
            for j in range(1, _GSIZE):
                acc = acc + plsc.load_gather(row, [cols[b][j]])
            obuf[r, pl.ds(b * _LANES, _LANES)] = acc * scale
        return carry

    out_copies = []
    for k in range(_NCHUNK):
        in_copies[k].wait()
        lax.fori_loop(k * _CH, (k + 1) * _CH, row_step, 0, unroll=4)
        out_copies.append(
            pltpu.async_copy(
                obuf.at[pl.ds(k * _CH, _CH)],
                out_hbm.at[pl.ds(wid * _ROWS_PER_W + k * _CH, _CH)],
                out_sems.at[k],
            )
        )
    for c in out_copies:
        c.wait()


def _sc_pool(x):
    mesh = plsc.VectorSubcoreMesh(core_axis_name="c", subcore_axis_name="s")
    return pl.kernel(
        _sc_body,
        out_type=jax.ShapeDtypeStruct((_SC_ROWS, _NGROUPS), jnp.float32),
        mesh=mesh,
        compiler_params=pltpu.CompilerParams(needs_layout_passes=False),
        scratch_types=[
            pltpu.VMEM((_ROWS_PER_W, _USED), jnp.float32),
            pltpu.VMEM((_ROWS_PER_W, _NGROUPS), jnp.float32),
            pltpu.SemaphoreType.DMA((_NCHUNK,)),
            pltpu.SemaphoreType.DMA((_NCHUNK,)),
        ],
    )(x)


def _tc_body(*refs):
    x_refs, o_ref = refs[:_NSTREAM], refs[_NSTREAM]
    k = lax.broadcasted_iota(jnp.int32, (_USED, _NGROUPS), 0)
    i = lax.broadcasted_iota(jnp.int32, (_USED, _NGROUPS), 1)
    w = jnp.where(k // _GSIZE == i, jnp.float32(1.0 / _GSIZE), jnp.float32(0.0))
    for q, x_ref in enumerate(x_refs):
        o_ref[:, q * _TC_BLK:(q + 1) * _TC_BLK] = lax.dot_general(
            w, x_ref[...],
            dimension_numbers=(((0,), (1,)), ((), ())),
            preferred_element_type=jnp.float32,
            precision=lax.Precision.HIGHEST)


def _tc_pool(x):
    def in_map(q):
        return lambda i: (i * _NSTREAM + q, 0)

    return pl.pallas_call(
        _tc_body,
        grid=(_TC_GRID,),
        in_specs=[pl.BlockSpec((_TC_BLK, _USED), in_map(q))
                  for q in range(_NSTREAM)],
        out_specs=pl.BlockSpec((_NGROUPS, _OBLK), lambda i: (0, i)),
        out_shape=jax.ShapeDtypeStruct((_NGROUPS, _TC_ROWS), jnp.float32),
    )(*([x] * _NSTREAM))


@jax.jit
def _pooled_mean(x):
    out_sc = _sc_pool(x)
    out_tc_t = _tc_pool(x)
    out_t = jnp.concatenate([out_tc_t, out_sc.T], axis=1)
    return out_t.T


def kernel(gene_set_features):
    return _pooled_mean(gene_set_features)

# --- scband reference (transcript-rebuilt; emitter-appended) ---
"""Pipeline reference for scband-pooling-aggregator-4140348473474 (READ-ONLY COPY).

The authoritative reference and input builder live on the scoring server;
editing this copy changes nothing except your own understanding.
"""

import jax, jax.numpy as jnp
import numpy as np

# Mirrors agg_indices_series.tolist(): 32 groups of 4 consecutive indices
AGG_INDICES = np.array([[4 * i + j for j in range(4)] for i in range(32)], dtype=np.int64)
POOLING_TYPE = 'mean'


def setup_inputs(seed: int = 0) -> dict:
    key = jax.random.key(seed)
    gene_set_features = jax.random.normal(key, (16384, 2048), dtype=jnp.float32)
    return {"gene_set_features": gene_set_features}


def reference(gene_set_features):
    # Faithful translation of the per-group loop: for each group i,
    # aggregated[:, i] = mean(gene_set_features[:, indices_i], dim=1).
    # All groups have equal length (4), so we vectorize the gather + reduce.
    idx = jnp.asarray(AGG_INDICES)  # [num_agg_features, group_size]
    batch_size = gene_set_features.shape[0]
    num_agg, group_size = idx.shape
    gathered = jnp.take(gene_set_features, idx.reshape(-1), axis=1)
    gathered = gathered.reshape(batch_size, num_agg, group_size)
    if POOLING_TYPE == 'mean':
        aggregated_features = jnp.mean(gathered, axis=2)
    else:
        aggregated_features = jnp.max(gathered, axis=2)
    return aggregated_features

if __name__ == "__main__":
    import jax
    _d = setup_inputs()
    print(jax.jit(kernel)(*tuple(_d.values())))

</pallas_src>

<mosaic_0001>
#map = affine_map<(d0, d1) -> (0, 0)>
module attributes {stable_mosaic.version = 14 : i64} {
  func.func @_sc_body(%arg0: i32, %arg1: i32, %arg2: memref<16384x2048xf32, #tpu.memory_space<hbm>>, %arg3: memref<4096x32xf32, #tpu.memory_space<hbm>>, %arg4: memref<128x128xf32, #tpu.memory_space<vmem>>, %arg5: memref<128x32xf32, #tpu.memory_space<vmem>>, %arg6: memref<4x!tpu.dma_semaphore, #tpu.memory_space<semaphore_mem>>, %arg7: memref<4x!tpu.dma_semaphore, #tpu.memory_space<semaphore_mem>>) attributes {dimension_semantics = [#tpu.dimension_semantics<core_parallel>, #tpu.dimension_semantics<subcore_parallel>], iteration_bounds = array<i64: 2, 16>, scalar_prefetch = 0 : i64, scratch_operands = 4 : i64, tpu.core_type = #tpu.core_type<sc_vector_subcore>, window_params = [{transform_indices = #map}, {transform_indices = #map}]} {
    %mul3A = arith.constant 2 : i32
    %mul3A_0 = arith.muli %arg1, %mul3A : i32
    %add3A = arith.addi %mul3A_0, %arg0 : i32
    %mul3A_1 = arith.constant 128 : i32
    %mul3A_2 = arith.muli %add3A, %mul3A_1 : i32
    %add3A_3 = arith.constant 12288 : i32
    %add3A_4 = arith.addi %add3A_3, %mul3A_2 : i32
    %add3A_5 = arith.constant 0 : i32
    %add3A_6 = arith.addi %add3A_4, %add3A_5 : i32
    %dma_start3A = arith.constant 0 : i32
    %dma_start3A_7 = arith.constant 0 : i32
    %dma_start3A_8 = arith.constant 0 : i32
    %dma_start3A_9 = tpu.memref_slice %arg4[%dma_start3A_7, %dma_start3A_8] : memref<128x128xf32, #tpu.memory_space<vmem>> -> memref<32x128xf32, #tpu.memory_space<vmem>>
    %dma_start3A_10 = arith.constant 0 : i32
    %dma_start3A_11 = tpu.memref_slice %arg2[%add3A_6, %dma_start3A_10] : memref<16384x2048xf32, #tpu.memory_space<hbm>> -> memref<32x128xf32, #tpu.memory_space<hbm>>
    %dma_start3A_12 = tpu.memref_slice %arg6[%dma_start3A] : memref<4x!tpu.dma_semaphore, #tpu.memory_space<semaphore_mem>> -> memref<1x!tpu.dma_semaphore, #tpu.memory_space<semaphore_mem>>
    %dma_start3A_13 = tpu.memref_squeeze %dma_start3A_12 : memref<1x!tpu.dma_semaphore, #tpu.memory_space<semaphore_mem>> -> memref<!tpu.dma_semaphore, #tpu.memory_space<semaphore_mem>>
    %dma_start3A_14 = arith.constant 0 : i32
    %dma_start3A_15 = arith.constant 0 : i32
    %dma_start3A_16 = tpu.memref_slice %arg4[%dma_start3A_14, %dma_start3A_15] : memref<128x128xf32, #tpu.memory_space<vmem>> -> memref<32x128xf32, #tpu.memory_space<vmem>>
    %dma_start3A_17 = arith.constant 0 : i32
    %dma_start3A_18 = tpu.memref_slice %arg2[%add3A_6, %dma_start3A_17] : memref<16384x2048xf32, #tpu.memory_space<hbm>> -> memref<32x128xf32, #tpu.memory_space<hbm>>
    tpu.enqueue_dma source(%dma_start3A_18 : memref<32x128xf32, #tpu.memory_space<hbm>>) target(%dma_start3A_16 : memref<32x128xf32, #tpu.memory_space<vmem>>) target_semaphore(%dma_start3A_13 : memref<!tpu.dma_semaphore, #tpu.memory_space<semaphore_mem>>)
    %add3A_19 = arith.constant 32 : i32
    %add3A_20 = arith.addi %add3A_4, %add3A_19 : i32
    %dma_start3A_21 = arith.constant 1 : i32
    %dma_start3A_22 = arith.constant 32 : i32
    %dma_start3A_23 = arith.constant 0 : i32
    %dma_start3A_24 = tpu.memref_slice %arg4[%dma_start3A_22, %dma_start3A_23] : memref<128x128xf32, #tpu.memory_space<vmem>> -> memref<32x128xf32, #tpu.memory_space<vmem>>
    %dma_start3A_25 = arith.constant 0 : i32
    %dma_start3A_26 = tpu.memref_slice %arg2[%add3A_20, %dma_start3A_25] : memref<16384x2048xf32, #tpu.memory_space<hbm>> -> memref<32x128xf32, #tpu.memory_space<hbm>>
    %dma_start3A_27 = tpu.memref_slice %arg6[%dma_start3A_21] : memref<4x!tpu.dma_semaphore, #tpu.memory_space<semaphore_mem>> -> memref<1x!tpu.dma_semaphore, #tpu.memory_space<semaphore_mem>>
    %dma_start3A_28 = tpu.memref_squeeze %dma_start3A_27 : memref<1x!tpu.dma_semaphore, #tpu.memory_space<semaphore_mem>> -> memref<!tpu.dma_semaphore, #tpu.memory_space<semaphore_mem>>
    %dma_start3A_29 = arith.constant 32 : i32
    %dma_start3A_30 = arith.constant 0 : i32
    %dma_start3A_31 = tpu.memref_slice %arg4[%dma_start3A_29, %dma_start3A_30] : memref<128x128xf32, #tpu.memory_space<vmem>> -> memref<32x128xf32, #tpu.memory_space<vmem>>
    %dma_start3A_32 = arith.constant 0 : i32
    %dma_start3A_33 = tpu.memref_slice %arg2[%add3A_20, %dma_start3A_32] : memref<16384x2048xf32, #tpu.memory_space<hbm>> -> memref<32x128xf32, #tpu.memory_space<hbm>>
    tpu.enqueue_dma source(%dma_start3A_33 : memref<32x128xf32, #tpu.memory_space<hbm>>) target(%dma_start3A_31 : memref<32x128xf32, #tpu.memory_space<vmem>>) target_semaphore(%dma_start3A_28 : memref<!tpu.dma_semaphore, #tpu.memory_space<semaphore_mem>>)
    %add3A_34 = arith.constant 64 : i32
    %add3A_35 = arith.addi %add3A_4, %add3A_34 : i32
    %dma_start3A_36 = arith.constant 2 : i32
    %dma_start3A_37 = arith.constant 64 : i32
    %dma_start3A_38 = arith.constant 0 : i32
    %dma_start3A_39 = tpu.memref_slice %arg4[%dma_start3A_37, %dma_start3A_38] : memref<128x128xf32, #tpu.memory_space<vmem>> -> memref<32x128xf32, #tpu.memory_space<vmem>>
    %dma_start3A_40 = arith.constant 0 : i32
    %dma_start3A_41 = tpu.memref_slice %arg2[%add3A_35, %dma_start3A_40] : memref<16384x2048xf32, #tpu.memory_space<hbm>> -> memref<32x128xf32, #tpu.memory_space<hbm>>
    %dma_start3A_42 = tpu.memref_slice %arg6[%dma_start3A_36] : memref<4x!tpu.dma_semaphore, #tpu.memory_space<semaphore_mem>> -> memref<1x!tpu.dma_semaphore, #tpu.memory_space<semaphore_mem>>
    %dma_start3A_43 = tpu.memref_squeeze %dma_start3A_42 : memref<1x!tpu.dma_semaphore, #tpu.memory_space<semaphore_mem>> -> memref<!tpu.dma_semaphore, #tpu.memory_space<semaphore_mem>>
    %dma_start3A_44 = arith.constant 64 : i32
    %dma_start3A_45 = arith.constant 0 : i32
    %dma_start3A_46 = tpu.memref_slice %arg4[%dma_start3A_44, %dma_start3A_45] : memref<128x128xf32, #tpu.memory_space<vmem>> -> memref<32x128xf32, #tpu.memory_space<vmem>>
    %dma_start3A_47 = arith.constant 0 : i32
    %dma_start3A_48 = tpu.memref_slice %arg2[%add3A_35, %dma_start3A_47] : memref<16384x2048xf32, #tpu.memory_space<hbm>> -> memref<32x128xf32, #tpu.memory_space<hbm>>
    tpu.enqueue_dma source(%dma_start3A_48 : memref<32x128xf32, #tpu.memory_space<hbm>>) target(%dma_start3A_46 : memref<32x128xf32, #tpu.memory_space<vmem>>) target_semaphore(%dma_start3A_43 : memref<!tpu.dma_semaphore, #tpu.memory_space<semaphore_mem>>)
    %add3A_49 = arith.constant 96 : i32
    %add3A_50 = arith.addi %add3A_4, %add3A_49 : i32
    %dma_start3A_51 = arith.constant 3 : i32
    %dma_start3A_52 = arith.constant 96 : i32
    %dma_start3A_53 = arith.constant 0 : i32
    %dma_start3A_54 = tpu.memref_slice %arg4[%dma_start3A_52, %dma_start3A_53] : memref<128x128xf32, #tpu.memory_space<vmem>> -> memref<32x128xf32, #tpu.memory_space<vmem>>
    %dma_start3A_55 = arith.constant 0 : i32
    %dma_start3A_56 = tpu.memref_slice %arg2[%add3A_50, %dma_start3A_55] : memref<16384x2048xf32, #tpu.memory_space<hbm>> -> memref<32x128xf32, #tpu.memory_space<hbm>>
    %dma_start3A_57 = tpu.memref_slice %arg6[%dma_start3A_51] : memref<4x!tpu.dma_semaphore, #tpu.memory_space<semaphore_mem>> -> memref<1x!tpu.dma_semaphore, #tpu.memory_space<semaphore_mem>>
    %dma_start3A_58 = tpu.memref_squeeze %dma_start3A_57 : memref<1x!tpu.dma_semaphore, #tpu.memory_space<semaphore_mem>> -> memref<!tpu.dma_semaphore, #tpu.memory_space<semaphore_mem>>
    %dma_start3A_59 = arith.constant 96 : i32
    %dma_start3A_60 = arith.constant 0 : i32
    %dma_start3A_61 = tpu.memref_slice %arg4[%dma_start3A_59, %dma_start3A_60] : memref<128x128xf32, #tpu.memory_space<vmem>> -> memref<32x128xf32, #tpu.memory_space<vmem>>
    %dma_start3A_62 = arith.constant 0 : i32
    %dma_start3A_63 = tpu.memref_slice %arg2[%add3A_50, %dma_start3A_62] : memref<16384x2048xf32, #tpu.memory_space<hbm>> -> memref<32x128xf32, #tpu.memory_space<hbm>>
    tpu.enqueue_dma source(%dma_start3A_63 : memref<32x128xf32, #tpu.memory_space<hbm>>) target(%dma_start3A_61 : memref<32x128xf32, #tpu.memory_space<vmem>>) target_semaphore(%dma_start3A_58 : memref<!tpu.dma_semaphore, #tpu.memory_space<semaphore_mem>>)
    %iota3A = tpu.iota {dimensions = array<i32: 0>} : vector<16xi32>
    %mul3A_64 = arith.constant 4 : i32
    %mul3A_65 = vector.broadcast %mul3A_64 : i32 to vector<16xi32>
    %mul3A_66 = arith.muli %iota3A, %mul3A_65 : vector<16xi32>
    %add3A_67 = arith.constant 0 : i32
    %add3A_68 = vector.broadcast %add3A_67 : i32 to vector<16xi32>
    %add3A_69 = arith.addi %mul3A_66, %add3A_68 : vector<16xi32>
    %mul3A_70 = arith.constant 4 : i32
    %mul3A_71 = vector.broadcast %mul3A_70 : i32 to vector<16xi32>
    %mul3A_72 = arith.muli %iota3A, %mul3A_71 : vector<16xi32>
    %add3A_73 = arith.constant 1 : i32
    %add3A_74 = vector.broadcast %add3A_73 : i32 to vector<16xi32>
    %add3A_75 = arith.addi %mul3A_72, %add3A_74 : vector<16xi32>
    %mul3A_76 = arith.constant 4 : i32
    %mul3A_77 = vector.broadcast %mul3A_76 : i32 to vector<16xi32>
    %mul3A_78 = arith.muli %iota3A, %mul3A_77 : vector<16xi32>
    %add3A_79 = arith.constant 2 : i32
    %add3A_80 = vector.broadcast %add3A_79 : i32 to vector<16xi32>
    %add3A_81 = arith.addi %mul3A_78, %add3A_80 : vector<16xi32>
    %mul3A_82 = arith.constant 4 : i32
    %mul3A_83 = vector.broadcast %mul3A_82 : i32 to vector<16xi32>
    %mul3A_84 = arith.muli %iota3A, %mul3A_83 : vector<16xi32>
    %add3A_85 = arith.constant 3 : i32
    %add3A_86 = vector.broadcast %add3A_85 : i32 to vector<16xi32>
    %add3A_87 = arith.addi %mul3A_84, %add3A_86 : vector<16xi32>
    %mul3A_88 = arith.constant 4 : i32
    %mul3A_89 = vector.broadcast %mul3A_88 : i32 to vector<16xi32>
    %mul3A_90 = arith.muli %iota3A, %mul3A_89 : vector<16xi32>
    %add3A_91 = arith.constant 64 : i32
    %add3A_92 = vector.broadcast %add3A_91 : i32 to vector<16xi32>
    %add3A_93 = arith.addi %mul3A_90, %add3A_92 : vector<16xi32>
    %mul3A_94 = arith.constant 4 : i32
    %mul3A_95 = vector.broadcast %mul3A_94 : i32 to vector<16xi32>
    %mul3A_96 = arith.muli %iota3A, %mul3A_95 : vector<16xi32>
    %add3A_97 = arith.constant 65 : i32
    %add3A_98 = vector.broadcast %add3A_97 : i32 to vector<16xi32>
    %add3A_99 = arith.addi %mul3A_96, %add3A_98 : vector<16xi32>
    %mul3A_100 = arith.constant 4 : i32
    %mul3A_101 = vector.broadcast %mul3A_100 : i32 to vector<16xi32>
    %mul3A_102 = arith.muli %iota3A, %mul3A_101 : vector<16xi32>
    %add3A_103 = arith.constant 66 : i32
    %add3A_104 = vector.broadcast %add3A_103 : i32 to vector<16xi32>
    %add3A_105 = arith.addi %mul3A_102, %add3A_104 : vector<16xi32>
    %mul3A_106 = arith.constant 4 : i32
    %mul3A_107 = vector.broadcast %mul3A_106 : i32 to vector<16xi32>
    %mul3A_108 = arith.muli %iota3A, %mul3A_107 : vector<16xi32>
    %add3A_109 = arith.constant 67 : i32
    %add3A_110 = vector.broadcast %add3A_109 : i32 to vector<16xi32>
    %add3A_111 = arith.addi %mul3A_108, %add3A_110 : vector<16xi32>
    %dma_wait3A = arith.constant 0 : i32
    %dma_wait3A_112 = arith.constant 0 : i32
    %dma_wait3A_113 = arith.constant 0 : i32
    %dma_wait3A_114 = tpu.memref_slice %arg4[%dma_wait3A_112, %dma_wait3A_113] : memref<128x128xf32, #tpu.memory_space<vmem>> -> memref<32x128xf32, #tpu.memory_space<vmem>>
    %dma_wait3A_115 = arith.constant 0 : i32
    %dma_wait3A_116 = tpu.memref_slice %arg2[%add3A_6, %dma_wait3A_115] : memref<16384x2048xf32, #tpu.memory_space<hbm>> -> memref<32x128xf32, #tpu.memory_space<hbm>>
    %dma_wait3A_117 = tpu.memref_slice %arg6[%dma_wait3A] : memref<4x!tpu.dma_semaphore, #tpu.memory_space<semaphore_mem>> -> memref<1x!tpu.dma_semaphore, #tpu.memory_space<semaphore_mem>>
    %dma_wait3A_118 = tpu.memref_squeeze %dma_wait3A_117 : memref<1x!tpu.dma_semaphore, #tpu.memory_space<semaphore_mem>> -> memref<!tpu.dma_semaphore, #tpu.memory_space<semaphore_mem>>
    %dma_wait3A_119 = arith.constant 0 : i32
    %dma_wait3A_120 = arith.constant 0 : i32
    %dma_wait3A_121 = tpu.memref_slice %arg4[%dma_wait3A_119, %dma_wait3A_120] : memref<128x128xf32, #tpu.memory_space<vmem>> -> memref<32x128xf32, #tpu.memory_space<vmem>>
    %dma_wait3A_122 = arith.constant 0 : i32
    %dma_wait3A_123 = tpu.memref_slice %arg2[%add3A_6, %dma_wait3A_122] : memref<16384x2048xf32, #tpu.memory_space<hbm>> -> memref<32x128xf32, #tpu.memory_space<hbm>>
    tpu.wait_dma2 semaphore(%dma_wait3A_118 : memref<!tpu.dma_semaphore, #tpu.memory_space<semaphore_mem>>) src(%dma_wait3A_123 : memref<32x128xf32, #tpu.memory_space<hbm>>) dst(%dma_wait3A_121 : memref<32x128xf32, #tpu.memory_space<vmem>>)
    %scan3A = arith.constant 0 : i32
    %scan3A_124 = arith.constant 2.500000e-01 : f32
    %scan3A_125 = arith.constant 0 : i32
    %scan3A_126 = arith.constant 32 : i32
    %scan3A_127 = arith.addi %scan3A_125, %scan3A_126 : i32
    %scan3A_128 = arith.constant 4 : i32
    scf.for %scan3A_310 = %scan3A_125 to %scan3A_127 step %scan3A_128  : i32 {
      %gather3A = arith.constant 0 : i32
      %gather3A_311 = tpu.memref_slice %arg4[%scan3A_310, %gather3A] : memref<128x128xf32, #tpu.memory_space<vmem>> -> memref<1x128xf32, #tpu.memory_space<vmem>>
      %gather3A_312 = tpu.memref_squeeze %gather3A_311 : memref<1x128xf32, #tpu.memory_space<vmem>> -> memref<128xf32, #tpu.memory_space<vmem>>
      %gather3A_313 = tpu.vector_load_idx %gather3A_312[%add3A_69] : memref<128xf32, #tpu.memory_space<vmem>>[vector<16xi32>], vector<16xf32>,
      %gather3A_314 = arith.constant 0 : i32
      %gather3A_315 = tpu.memref_slice %arg4[%scan3A_310, %gather3A_314] : memref<128x128xf32, #tpu.memory_space<vmem>> -> memref<1x128xf32, #tpu.memory_space<vmem>>
      %gather3A_316 = tpu.memref_squeeze %gather3A_315 : memref<1x128xf32, #tpu.memory_space<vmem>> -> memref<128xf32, #tpu.memory_space<vmem>>
      %gather3A_317 = tpu.vector_load_idx %gather3A_316[%add3A_75] : memref<128xf32, #tpu.memory_space<vmem>>[vector<16xi32>], vector<16xf32>,
      %add3A_318 = arith.addf %gather3A_313, %gather3A_317 : vector<16xf32>
      %gather3A_319 = arith.constant 0 : i32
      %gather3A_320 = tpu.memref_slice %arg4[%scan3A_310, %gather3A_319] : memref<128x128xf32, #tpu.memory_space<vmem>> -> memref<1x128xf32, #tpu.memory_space<vmem>>
      %gather3A_321 = tpu.memref_squeeze %gather3A_320 : memref<1x128xf32, #tpu.memory_space<vmem>> -> memref<128xf32, #tpu.memory_space<vmem>>
      %gather3A_322 = tpu.vector_load_idx %gather3A_321[%add3A_81] : memref<128xf32, #tpu.memory_space<vmem>>[vector<16xi32>], vector<16xf32>,
      %add3A_323 = arith.addf %add3A_318, %gather3A_322 : vector<16xf32>
      %gather3A_324 = arith.constant 0 : i32
      %gather3A_325 = tpu.memref_slice %arg4[%scan3A_310, %gather3A_324] : memref<128x128xf32, #tpu.memory_space<vmem>> -> memref<1x128xf32, #tpu.memory_space<vmem>>
      %gather3A_326 = tpu.memref_squeeze %gather3A_325 : memref<1x128xf32, #tpu.memory_space<vmem>> -> memref<128xf32, #tpu.memory_space<vmem>>
      %gather3A_327 = tpu.vector_load_idx %gather3A_326[%add3A_87] : memref<128xf32, #tpu.memory_space<vmem>>[vector<16xi32>], vector<16xf32>,
      %add3A_328 = arith.addf %add3A_323, %gather3A_327 : vector<16xf32>
      %mul3A_329 = vector.broadcast %scan3A_124 : f32 to vector<16xf32>
      %mul3A_330 = arith.mulf %add3A_328, %mul3A_329 : vector<16xf32>
      %swap3A = arith.index_cast %scan3A_310 : i32 to index
      %swap3A_331 = arith.constant 0 : index
      %swap3A_332 = tpu.vector_load %arg5[%swap3A, %swap3A_331] {strides = array<i32>} : memref<128x32xf32, #tpu.memory_space<vmem>>, vector<16xf32>,
      tpu.vector_store %arg5[%swap3A, %swap3A_331], %mul3A_330 {strides = array<i32>} : memref<128x32xf32, #tpu.memory_space<vmem>>, vector<16xf32>,
      %gather3A_333 = arith.constant 0 : i32
      %gather3A_334 = tpu.memref_slice %arg4[%scan3A_310, %gather3A_333] : memref<128x128xf32, #tpu.memory_space<vmem>> -> memref<1x128xf32, #tpu.memory_space<vmem>>
      %gather3A_335 = tpu.memref_squeeze %gather3A_334 : memref<1x128xf32, #tpu.memory_space<vmem>> -> memref<128xf32, #tpu.memory_space<vmem>>
      %gather3A_336 = tpu.vector_load_idx %gather3A_335[%add3A_93] : memref<128xf32, #tpu.memory_space<vmem>>[vector<16xi32>], vector<16xf32>,
      %gather3A_337 = arith.constant 0 : i32
      %gather3A_338 = tpu.memref_slice %arg4[%scan3A_310, %gather3A_337] : memref<128x128xf32, #tpu.memory_space<vmem>> -> memref<1x128xf32, #tpu.memory_space<vmem>>
      %gather3A_339 = tpu.memref_squeeze %gather3A_338 : memref<1x128xf32, #tpu.memory_space<vmem>> -> memref<128xf32, #tpu.memory_space<vmem>>
      %gather3A_340 = tpu.vector_load_idx %gather3A_339[%add3A_99] : memref<128xf32, #tpu.memory_space<vmem>>[vector<16xi32>], vector<16xf32>,
      %add3A_341 = arith.addf %gather3A_336, %gather3A_340 : vector<16xf32>
      %gather3A_342 = arith.constant 0 : i32
      %gather3A_343 = tpu.memref_slice %arg4[%scan3A_310, %gather3A_342] : memref<128x128xf32, #tpu.memory_space<vmem>> -> memref<1x128xf32, #tpu.memory_space<vmem>>
      %gather3A_344 = tpu.memref_squeeze %gather3A_343 : memref<1x128xf32, #tpu.memory_space<vmem>> -> memref<128xf32, #tpu.memory_space<vmem>>
      %gather3A_345 = tpu.vector_load_idx %gather3A_344[%add3A_105] : memref<128xf32, #tpu.memory_space<vmem>>[vector<16xi32>], vector<16xf32>,
      %add3A_346 = arith.addf %add3A_341, %gather3A_345 : vector<16xf32>
      %gather3A_347 = arith.constant 0 : i32
      %gather3A_348 = tpu.memref_slice %arg4[%scan3A_310, %gather3A_347] : memref<128x128xf32, #tpu.memory_space<vmem>> -> memref<1x128xf32, #tpu.memory_space<vmem>>
      %gather3A_349 = tpu.memref_squeeze %gather3A_348 : memref<1x128xf32, #tpu.memory_space<vmem>> -> memref<128xf32, #tpu.memory_space<vmem>>
      %gather3A_350 = tpu.vector_load_idx %gather3A_349[%add3A_111] : memref<128xf32, #tpu.memory_space<vmem>>[vector<16xi32>], vector<16xf32>,
      %add3A_351 = arith.addf %add3A_346, %gather3A_350 : vector<16xf32>
      %mul3A_352 = vector.broadcast %scan3A_124 : f32 to vector<16xf32>
      %mul3A_353 = arith.mulf %add3A_351, %mul3A_352 : vector<16xf32>
      %swap3A_354 = arith.index_cast %scan3A_310 : i32 to index
      %swap3A_355 = arith.constant 16 : index
      %swap3A_356 = tpu.vector_load %arg5[%swap3A_354, %swap3A_355] {strides = array<i32>} : memref<128x32xf32, #tpu.memory_space<vmem>>, vector<16xf32>,
      tpu.vector_store %arg5[%swap3A_354, %swap3A_355], %mul3A_353 {strides = array<i32>} : memref<128x32xf32, #tpu.memory_space<vmem>>, vector<16xf32>,
      %scan3A_357 = arith.constant 1 : i32
      %scan3A_358 = arith.addi %scan3A_310, %scan3A_357 : i32
      %gather3A_359 = arith.constant 0 : i32
      %gather3A_360 = tpu.memref_slice %arg4[%scan3A_358, %gather3A_359] : memref<128x128xf32, #tpu.memory_space<vmem>> -> memref<1x128xf32, #tpu.memory_space<vmem>>
      %gather3A_361 = tpu.memref_squeeze %gather3A_360 : memref<1x128xf32, #tpu.memory_space<vmem>> -> memref<128xf32, #tpu.memory_space<vmem>>
      %gather3A_362 = tpu.vector_load_idx %gather3A_361[%add3A_69] : memref<128xf32, #tpu.memory_space<vmem>>[vector<16xi32>], vector<16xf32>,
      %gather3A_363 = arith.constant 0 : i32
      %gather3A_364 = tpu.memref_slice %arg4[%scan3A_358, %gather3A_363] : memref<128x128xf32, #tpu.memory_space<vmem>> -> memref<1x128xf32, #tpu.memory_space<vmem>>
      %gather3A_365 = tpu.memref_squeeze %gather3A_364 : memref<1x128xf32, #tpu.memory_space<vmem>> -> memref<128xf32, #tpu.memory_space<vmem>>
      %gather3A_366 = tpu.vector_load_idx %gather3A_365[%add3A_75] : memref<128xf32, #tpu.memory_space<vmem>>[vector<16xi32>], vector<16xf32>,
      %add3A_367 = arith.addf %gather3A_362, %gather3A_366 : vector<16xf32>
      %gather3A_368 = arith.constant 0 : i32
      %gather3A_369 = tpu.memref_slice %arg4[%scan3A_358, %gather3A_368] : memref<128x128xf32, #tpu.memory_space<vmem>> -> memref<1x128xf32, #tpu.memory_space<vmem>>
      %gather3A_370 = tpu.memref_squeeze %gather3A_369 : memref<1x128xf32, #tpu.memory_space<vmem>> -> memref<128xf32, #tpu.memory_space<vmem>>
      %gather3A_371 = tpu.vector_load_idx %gather3A_370[%add3A_81] : memref<128xf32, #tpu.memory_space<vmem>>[vector<16xi32>], vector<16xf32>,
      %add3A_372 = arith.addf %add3A_367, %gather3A_371 : vector<16xf32>
      %gather3A_373 = arith.constant 0 : i32
      %gather3A_374 = tpu.memref_slice %arg4[%scan3A_358, %gather3A_373] : memref<128x128xf32, #tpu.memory_space<vmem>> -> memref<1x128xf32, #tpu.memory_space<vmem>>
      %gather3A_375 = tpu.memref_squeeze %gather3A_374 : memref<1x128xf32, #tpu.memory_space<vmem>> -> memref<128xf32, #tpu.memory_space<vmem>>
      %gather3A_376 = tpu.vector_load_idx %gather3A_375[%add3A_87] : memref<128xf32, #tpu.memory_space<vmem>>[vector<16xi32>], vector<16xf32>,
      %add3A_377 = arith.addf %add3A_372, %gather3A_376 : vector<16xf32>
      %mul3A_378 = vector.broadcast %scan3A_124 : f32 to vector<16xf32>
      %mul3A_379 = arith.mulf %add3A_377, %mul3A_378 : vector<16xf32>
      %swap3A_380 = arith.index_cast %scan3A_358 : i32 to index
      %swap3A_381 = arith.constant 0 : index
      %swap3A_382 = tpu.vector_load %arg5[%swap3A_380, %swap3A_381] {strides = array<i32>} : memref<128x32xf32, #tpu.memory_space<vmem>>, vector<16xf32>,
      tpu.vector_store %arg5[%swap3A_380, %swap3A_381], %mul3A_379 {strides = array<i32>} : memref<128x32xf32, #tpu.memory_space<vmem>>, vector<16xf32>,
      %gather3A_383 = arith.constant 0 : i32
      %gather3A_384 = tpu.memref_slice %arg4[%scan3A_358, %gather3A_383] : memref<128x128xf32, #tpu.memory_space<vmem>> -> memref<1x128xf32, #tpu.memory_space<vmem>>
      %gather3A_385 = tpu.memref_squeeze %gather3A_384 : memref<1x128xf32, #tpu.memory_space<vmem>> -> memref<128xf32, #tpu.memory_space<vmem>>
      %gather3A_386 = tpu.vector_load_idx %gather3A_385[%add3A_93] : memref<128xf32, #tpu.memory_space<vmem>>[vector<16xi32>], vector<16xf32>,
      %gather3A_387 = arith.constant 0 : i32
      %gather3A_388 = tpu.memref_slice %arg4[%scan3A_358, %gather3A_387] : memref<128x128xf32, #tpu.memory_space<vmem>> -> memref<1x128xf32, #tpu.memory_space<vmem>>
      %gather3A_389 = tpu.memref_squeeze %gather3A_388 : memref<1x128xf32, #tpu.memory_space<vmem>> -> memref<128xf32, #tpu.memory_space<vmem>>
      %gather3A_390 = tpu.vector_load_idx %gather3A_389[%add3A_99] : memref<128xf32, #tpu.memory_space<vmem>>[vector<16xi32>], vector<16xf32>,
      %add3A_391 = arith.addf %gather3A_386, %gather3A_390 : vector<16xf32>
      %gather3A_392 = arith.constant 0 : i32
      %gather3A_393 = tpu.memref_slice %arg4[%scan3A_358, %gather3A_392] : memref<128x128xf32, #tpu.memory_space<vmem>> -> memref<1x128xf32, #tpu.memory_space<vmem>>
      %gather3A_394 = tpu.memref_squeeze %gather3A_393 : memref<1x128xf32, #tpu.memory_space<vmem>> -> memref<128xf32, #tpu.memory_space<vmem>>
      %gather3A_395 = tpu.vector_load_idx %gather3A_394[%add3A_105] : memref<128xf32, #tpu.memory_space<vmem>>[vector<16xi32>], vector<16xf32>,
      %add3A_396 = arith.addf %add3A_391, %gather3A_395 : vector<16xf32>
      %gather3A_397 = arith.constant 0 : i32
      %gather3A_398 = tpu.memref_slice %arg4[%scan3A_358, %gather3A_397] : memref<128x128xf32, #tpu.memory_space<vmem>> -> memref<1x128xf32, #tpu.memory_space<vmem>>
      %gather3A_399 = tpu.memref_squeeze %gather3A_398 : memref<1x128xf32, #tpu.memory_space<vmem>> -> memref<128xf32, #tpu.memory_space<vmem>>
      %gather3A_400 = tpu.vector_load_idx %gather3A_399[%add3A_111] : memref<128xf32, #tpu.memory_space<vmem>>[vector<16xi32>], vector<16xf32>,
      %add3A_401 = arith.addf %add3A_396, %gather3A_400 : vector<16xf32>
      %mul3A_402 = vector.broadcast %scan3A_124 : f32 to vector<16xf32>
      %mul3A_403 = arith.mulf %add3A_401, %mul3A_402 : vector<16xf32>
      %swap3A_404 = arith.index_cast %scan3A_358 : i32 to index
      %swap3A_405 = arith.constant 16 : index
      %swap3A_406 = tpu.vector_load %arg5[%swap3A_404, %swap3A_405] {strides = array<i32>} : memref<128x32xf32, #tpu.memory_space<vmem>>, vector<16xf32>,
      tpu.vector_store %arg5[%swap3A_404, %swap3A_405], %mul3A_403 {strides = array<i32>} : memref<128x32xf32, #tpu.memory_space<vmem>>, vector<16xf32>,
      %scan3A_407 = arith.constant 2 : i32
      %scan3A_408 = arith.addi %scan3A_310, %scan3A_407 : i32
      %gather3A_409 = arith.constant 0 : i32
      %gather3A_410 = tpu.memref_slice %arg4[%scan3A_408, %gather3A_409] : memref<128x128xf32, #tpu.memory_space<vmem>> -> memref<1x128xf32, #tpu.memory_space<vmem>>
      %gather3A_411 = tpu.memref_squeeze %gather3A_410 : memref<1x128xf32, #tpu.memory_space<vmem>> -> memref<128xf32, #tpu.memory_space<vmem>>
      %gather3A_412 = tpu.vector_load_idx %gather3A_411[%add3A_69] : memref<128xf32, #tpu.memory_space<vmem>>[vector<16xi32>], vector<16xf32>,
      %gather3A_413 = arith.constant 0 : i32
      %gather3A_414 = tpu.memref_slice %arg4[%scan3A_408, %gather3A_413] : memref<128x128xf32, #tpu.memory_space<vmem>> -> memref<1x128xf32, #tpu.memory_space<vmem>>
      %gather3A_415 = tpu.memref_squeeze %gather3A_414 : memref<1x128xf32, #tpu.memory_space<vmem>> -> memref<128xf32, #tpu.memory_space<vmem>>
      %gather3A_416 = tpu.vector_load_idx %gather3A_415[%add3A_75] : memref<128xf32, #tpu.memory_space<vmem>>[vector<16xi32>], vector<16xf32>,
      %add3A_417 = arith.addf %gather3A_412, %gather3A_416 : vector<16xf32>
      %gather3A_418 = arith.constant 0 : i32
      %gather3A_419 = tpu.memref_slice %arg4[%scan3A_408, %gather3A_418] : memref<128x128xf32, #tpu.memory_space<vmem>> -> memref<1x128xf32, #tpu.memory_space<vmem>>
      %gather3A_420 = tpu.memref_squeeze %gather3A_419 : memref<1x128xf32, #tpu.memory_space<vmem>> -> memref<128xf32, #tpu.memory_space<vmem>>
      %gather3A_421 = tpu.vector_load_idx %gather3A_420[%add3A_81] : memref<128xf32, #tpu.memory_space<vmem>>[vector<16xi32>], vector<16xf32>,
      %add3A_422 = arith.addf %add3A_417, %gather3A_421 : vector<16xf32>
      %gather3A_423 = arith.constant 0 : i32
      %gather3A_424 = tpu.memref_slice %arg4[%scan3A_408, %gather3A_423] : memref<128x128xf32, #tpu.memory_space<vmem>> -> memref<1x128xf32, #tpu.memory_space<vmem>>
      %gather3A_425 = tpu.memref_squeeze %gather3A_424 : memref<1x128xf32, #tpu.memory_space<vmem>> -> memref<128xf32, #tpu.memory_space<vmem>>
      %gather3A_426 = tpu.vector_load_idx %gather3A_425[%add3A_87] : memref<128xf32, #tpu.memory_space<vmem>>[vector<16xi32>], vector<16xf32>,
      %add3A_427 = arith.addf %add3A_422, %gather3A_426 : vector<16xf32>
      %mul3A_428 = vector.broadcast %scan3A_124 : f32 to vector<16xf32>
      %mul3A_429 = arith.mulf %add3A_427, %mul3A_428 : vector<16xf32>
      %swap3A_430 = arith.index_cast %scan3A_408 : i32 to index
      %swap3A_431 = arith.constant 0 : index
      %swap3A_432 = tpu.vector_load %arg5[%swap3A_430, %swap3A_431] {strides = array<i32>} : memref<128x32xf32, #tpu.memory_space<vmem>>, vector<16xf32>,
      tpu.vector_store %arg5[%swap3A_430, %swap3A_431], %mul3A_429 {strides = array<i32>} : memref<128x32xf32, #tpu.memory_space<vmem>>, vector<16xf32>,
      %gather3A_433 = arith.constant 0 : i32
      %gather3A_434 = tpu.memref_slice %arg4[%scan3A_408, %gather3A_433] : memref<128x128xf32, #tpu.memory_space<vmem>> -> memref<1x128xf32, #tpu.memory_space<vmem>>
      %gather3A_435 = tpu.memref_squeeze %gather3A_434 : memref<1x128xf32, #tpu.memory_space<vmem>> -> memref<128xf32, #tpu.memory_space<vmem>>
      %gather3A_436 = tpu.vector_load_idx %gather3A_435[%add3A_93] : memref<128xf32, #tpu.memory_space<vmem>>[vector<16xi32>], vector<16xf32>,
      %gather3A_437 = arith.constant 0 : i32
      %gather3A_438 = tpu.memref_slice %arg4[%scan3A_408, %gather3A_437] : memref<128x128xf32, #tpu.memory_space<vmem>> -> memref<1x128xf32, #tpu.memory_space<vmem>>
      %gather3A_439 = tpu.memref_squeeze %gather3A_438 : memref<1x128xf32, #tpu.memory_space<vmem>> -> memref<128xf32, #tpu.memory_space<vmem>>
      %gather3A_440 = tpu.vector_load_idx %gather3A_439[%add3A_99] : memref<128xf32, #tpu.memory_space<vmem>>[vector<16xi32>], vector<16xf32>,
      %add3A_441 = arith.addf %gather3A_436, %gather3A_440 : vector<16xf32>
      %gather3A_442 = arith.constant 0 : i32
      %gather3A_443 = tpu.memref_slice %arg4[%scan3A_408, %gather3A_442] : memref<128x128xf32, #tpu.memory_space<vmem>> -> memref<1x128xf32, #tpu.memory_space<vmem>>
      %gather3A_444 = tpu.memref_squeeze %gather3A_443 : memref<1x128xf32, #tpu.memory_space<vmem>> -> memref<128xf32, #tpu.memory_space<vmem>>
      %gather3A_445 = tpu.vector_load_idx %gather3A_444[%add3A_105] : memref<128xf32, #tpu.memory_space<vmem>>[vector<16xi32>], vector<16xf32>,
      %add3A_446 = arith.addf %add3A_441, %gather3A_445 : vector<16xf32>
      %gather3A_447 = arith.constant 0 : i32
      %gather3A_448 = tpu.memref_slice %arg4[%scan3A_408, %gather3A_447] : memref<128x128xf32, #tpu.memory_space<vmem>> -> memref<1x128xf32, #tpu.memory_space<vmem>>
      %gather3A_449 = tpu.memref_squeeze %gather3A_448 : memref<1x128xf32, #tpu.memory_space<vmem>> -> memref<128xf32, #tpu.memory_space<vmem>>
      %gather3A_450 = tpu.vector_load_idx %gather3A_449[%add3A_111] : memref<128xf32, #tpu.memory_space<vmem>>[vector<16xi32>], vector<16xf32>,
      %add3A_451 = arith.addf %add3A_446, %gather3A_450 : vector<16xf32>
      %mul3A_452 = vector.broadcast %scan3A_124 : f32 to vector<16xf32>
      %mul3A_453 = arith.mulf %add3A_451, %mul3A_452 : vector<16xf32>
      %swap3A_454 = arith.index_cast %scan3A_408 : i32 to index
      %swap3A_455 = arith.constant 16 : index
      %swap3A_456 = tpu.vector_load %arg5[%swap3A_454, %swap3A_455] {strides = array<i32>} : memref<128x32xf32, #tpu.memory_space<vmem>>, vector<16xf32>,
      tpu.vector_store %arg5[%swap3A_454, %swap3A_455], %mul3A_453 {strides = array<i32>} : memref<128x32xf32, #tpu.memory_space<vmem>>, vector<16xf32>,
      %scan3A_457 = arith.constant 3 : i32
      %scan3A_458 = arith.addi %scan3A_310, %scan3A_457 : i32
      %gather3A_459 = arith.constant 0 : i32
      %gather3A_460 = tpu.memref_slice %arg4[%scan3A_458, %gather3A_459] : memref<128x128xf32, #tpu.memory_space<vmem>> -> memref<1x128xf32, #tpu.memory_space<vmem>>
      %gather3A_461 = tpu.memref_squeeze %gather3A_460 : memref<1x128xf32, #tpu.memory_space<vmem>> -> memref<128xf32, #tpu.memory_space<vmem>>
      %gather3A_462 = tpu.vector_load_idx %gather3A_461[%add3A_69] : memref<128xf32, #tpu.memory_space<vmem>>[vector<16xi32>], vector<16xf32>,
      %gather3A_463 = arith.constant 0 : i32
      %gather3A_464 = tpu.memref_slice %arg4[%scan3A_458, %gather3A_463] : memref<128x128xf32, #tpu.memory_space<vmem>> -> memref<1x128xf32, #tpu.memory_space<vmem>>
      %gather3A_465 = tpu.memref_squeeze %gather3A_464 : memref<1x128xf32, #tpu.memory_space<vmem>> -> memref<128xf32, #tpu.memory_space<vmem>>
      %gather3A_466 = tpu.vector_load_idx %gather3A_465[%add3A_75] : memref<128xf32, #tpu.memory_space<vmem>>[vector<16xi32>], vector<16xf32>,
      %add3A_467 = arith.addf %gather3A_462, %gather3A_466 : vector<16xf32>
      %gather3A_468 = arith.constant 0 : i32
      %gather3A_469 = tpu.memref_slice %arg4[%scan3A_458, %gather3A_468] : memref<128x128xf32, #tpu.memory_space<vmem>> -> memref<1x128xf32, #tpu.memory_space<vmem>>
      %gather3A_470 = tpu.memref_squeeze %gather3A_469 : memref<1x128xf32, #tpu.memory_space<vmem>> -> memref<128xf32, #tpu.memory_space<vmem>>
      %gather3A_471 = tpu.vector_load_idx %gather3A_470[%add3A_81] : memref<128xf32, #tpu.memory_space<vmem>>[vector<16xi32>], vector<16xf32>,
      %add3A_472 = arith.addf %add3A_467, %gather3A_471 : vector<16xf32>
      %gather3A_473 = arith.constant 0 : i32
      %gather3A_474 = tpu.memref_slice %arg4[%scan3A_458, %gather3A_473] : memref<128x128xf32, #tpu.memory_space<vmem>> -> memref<1x128xf32, #tpu.memory_space<vmem>>
      %gather3A_475 = tpu.memref_squeeze %gather3A_474 : memref<1x128xf32, #tpu.memory_space<vmem>> -> memref<128xf32, #tpu.memory_space<vmem>>
      %gather3A_476 = tpu.vector_load_idx %gather3A_475[%add3A_87] : memref<128xf32, #tpu.memory_space<vmem>>[vector<16xi32>], vector<16xf32>,
      %add3A_477 = arith.addf %add3A_472, %gather3A_476 : vector<16xf32>
      %mul3A_478 = vector.broadcast %scan3A_124 : f32 to vector<16xf32>
      %mul3A_479 = arith.mulf %add3A_477, %mul3A_478 : vector<16xf32>
      %swap3A_480 = arith.index_cast %scan3A_458 : i32 to index
      %swap3A_481 = arith.constant 0 : index
      %swap3A_482 = tpu.vector_load %arg5[%swap3A_480, %swap3A_481] {strides = array<i32>} : memref<128x32xf32, #tpu.memory_space<vmem>>, vector<16xf32>,
      tpu.vector_store %arg5[%swap3A_480, %swap3A_481], %mul3A_479 {strides = array<i32>} : memref<128x32xf32, #tpu.memory_space<vmem>>, vector<16xf32>,
      %gather3A_483 = arith.constant 0 : i32
      %gather3A_484 = tpu.memref_slice %arg4[%scan3A_458, %gather3A_483] : memref<128x128xf32, #tpu.memory_space<vmem>> -> memref<1x128xf32, #tpu.memory_space<vmem>>
      %gather3A_485 = tpu.memref_squeeze %gather3A_484 : memref<1x128xf32, #tpu.memory_space<vmem>> -> memref<128xf32, #tpu.memory_space<vmem>>
      %gather3A_486 = tpu.vector_load_idx %gather3A_485[%add3A_93] : memref<128xf32, #tpu.memory_space<vmem>>[vector<16xi32>], vector<16xf32>,
      %gather3A_487 = arith.constant 0 : i32
      %gather3A_488 = tpu.memref_slice %arg4[%scan3A_458, %gather3A_487] : memref<128x128xf32, #tpu.memory_space<vmem>> -> memref<1x128xf32, #tpu.memory_space<vmem>>
      %gather3A_489 = tpu.memref_squeeze %gather3A_488 : memref<1x128xf32, #tpu.memory_space<vmem>> -> memref<128xf32, #tpu.memory_space<vmem>>
      %gather3A_490 = tpu.vector_load_idx %gather3A_489[%add3A_99] : memref<128xf32, #tpu.memory_space<vmem>>[vector<16xi32>], vector<16xf32>,
      %add3A_491 = arith.addf %gather3A_486, %gather3A_490 : vector<16xf32>
      %gather3A_492 = arith.constant 0 : i32
      %gather3A_493 = tpu.memref_slice %arg4[%scan3A_458, %gather3A_492] : memref<128x128xf32, #tpu.memory_space<vmem>> -> memref<1x128xf32, #tpu.memory_space<vmem>>
      %gather3A_494 = tpu.memref_squeeze %gather3A_493 : memref<1x128xf32, #tpu.memory_space<vmem>> -> memref<128xf32, #tpu.memory_space<vmem>>
      %gather3A_495 = tpu.vector_load_idx %gather3A_494[%add3A_105] : memref<128xf32, #tpu.memory_space<vmem>>[vector<16xi32>], vector<16xf32>,
      %add3A_496 = arith.addf %add3A_491, %gather3A_495 : vector<16xf32>
      %gather3A_497 = arith.constant 0 : i32
      %gather3A_498 = tpu.memref_slice %arg4[%scan3A_458, %gather3A_497] : memref<128x128xf32, #tpu.memory_space<vmem>> -> memref<1x128xf32, #tpu.memory_space<vmem>>
      %gather3A_499 = tpu.memref_squeeze %gather3A_498 : memref<1x128xf32, #tpu.memory_space<vmem>> -> memref<128xf32, #tpu.memory_space<vmem>>
      %gather3A_500 = tpu.vector_load_idx %gather3A_499[%add3A_111] : memref<128xf32, #tpu.memory_space<vmem>>[vector<16xi32>], vector<16xf32>,
      %add3A_501 = arith.addf %add3A_496, %gather3A_500 : vector<16xf32>
      %mul3A_502 = vector.broadcast %scan3A_124 : f32 to vector<16xf32>
      %mul3A_503 = arith.mulf %add3A_501, %mul3A_502 : vector<16xf32>
      %swap3A_504 = arith.index_cast %scan3A_458 : i32 to index
      %swap3A_505 = arith.constant 16 : index
      %swap3A_506 = tpu.vector_load %arg5[%swap3A_504, %swap3A_505] {strides = array<i32>} : memref<128x32xf32, #tpu.memory_space<vmem>>, vector<16xf32>,
      tpu.vector_store %arg5[%swap3A_504, %swap3A_505], %mul3A_503 {strides = array<i32>} : memref<128x32xf32, #tpu.memory_space<vmem>>, vector<16xf32>,
    }
    %scan3A_129 = arith.constant 32 : i32
    %mul3A_130 = arith.constant 128 : i32
    %mul3A_131 = arith.muli %add3A, %mul3A_130 : i32
    %add3A_132 = arith.constant 0 : i32
    %add3A_133 = arith.addi %mul3A_131, %add3A_132 : i32
    %dma_start3A_134 = arith.constant 0 : i32
    %dma_start3A_135 = arith.constant 0 : i32
    %dma_start3A_136 = arith.constant 0 : i32
    %dma_start3A_137 = tpu.memref_slice %arg5[%dma_start3A_135, %dma_start3A_136] : memref<128x32xf32, #tpu.memory_space<vmem>> -> memref<32x32xf32, #tpu.memory_space<vmem>>
    %dma_start3A_138 = arith.constant 0 : i32
    %dma_start3A_139 = tpu.memref_slice %arg3[%add3A_133, %dma_start3A_138] : memref<4096x32xf32, #tpu.memory_space<hbm>> -> memref<32x32xf32, #tpu.memory_space<hbm>>
    %dma_start3A_140 = tpu.memref_slice %arg7[%dma_start3A_134] : memref<4x!tpu.dma_semaphore, #tpu.memory_space<semaphore_mem>> -> memref<1x!tpu.dma_semaphore, #tpu.memory_space<semaphore_mem>>
    %dma_start3A_141 = tpu.memref_squeeze %dma_start3A_140 : memref<1x!tpu.dma_semaphore, #tpu.memory_space<semaphore_mem>> -> memref<!tpu.dma_semaphore, #tpu.memory_space<semaphore_mem>>
    %dma_start3A_142 = arith.constant 0 : i32
    %dma_start3A_143 = tpu.memref_slice %arg3[%add3A_133, %dma_start3A_142] : memref<4096x32xf32, #tpu.memory_space<hbm>> -> memref<32x32xf32, #tpu.memory_space<hbm>>
    %dma_start3A_144 = arith.constant 0 : i32
    %dma_start3A_145 = arith.constant 0 : i32
    %dma_start3A_146 = tpu.memref_slice %arg5[%dma_start3A_144, %dma_start3A_145] : memref<128x32xf32, #tpu.memory_space<vmem>> -> memref<32x32xf32, #tpu.memory_space<vmem>>
    tpu.enqueue_dma source(%dma_start3A_146 : memref<32x32xf32, #tpu.memory_space<vmem>>) target(%dma_start3A_143 : memref<32x32xf32, #tpu.memory_space<hbm>>) target_semaphore(%dma_start3A_141 : memref<!tpu.dma_semaphore, #tpu.memory_space<semaphore_mem>>)
    %dma_wait3A_147 = arith.constant 1 : i32
    %dma_wait3A_148 = arith.constant 32 : i32
    %dma_wait3A_149 = arith.constant 0 : i32
    %dma_wait3A_150 = tpu.memref_slice %arg4[%dma_wait3A_148, %dma_wait3A_149] : memref<128x128xf32, #tpu.memory_space<vmem>> -> memref<32x128xf32, #tpu.memory_space<vmem>>
    %dma_wait3A_151 = arith.constant 0 : i32
    %dma_wait3A_152 = tpu.memref_slice %arg2[%add3A_20, %dma_wait3A_151] : memref<16384x2048xf32, #tpu.memory_space<hbm>> -> memref<32x128xf32, #tpu.memory_space<hbm>>
    %dma_wait3A_153 = tpu.memref_slice %arg6[%dma_wait3A_147] : memref<4x!tpu.dma_semaphore, #tpu.memory_space<semaphore_mem>> -> memref<1x!tpu.dma_semaphore, #tpu.memory_space<semaphore_mem>>
    %dma_wait3A_154 = tpu.memref_squeeze %dma_wait3A_153 : memref<1x!tpu.dma_semaphore, #tpu.memory_space<semaphore_mem>> -> memref<!tpu.dma_semaphore, #tpu.memory_space<semaphore_mem>>
    %dma_wait3A_155 = arith.constant 32 : i32
    %dma_wait3A_156 = arith.constant 0 : i32
    %dma_wait3A_157 = tpu.memref_slice %arg4[%dma_wait3A_155, %dma_wait3A_156] : memref<128x128xf32, #tpu.memory_space<vmem>> -> memref<32x128xf32, #tpu.memory_space<vmem>>
    %dma_wait3A_158 = arith.constant 0 : i32
    %dma_wait3A_159 = tpu.memref_slice %arg2[%add3A_20, %dma_wait3A_158] : memref<16384x2048xf32, #tpu.memory_space<hbm>> -> memref<32x128xf32, #tpu.memory_space<hbm>>
    tpu.wait_dma2 semaphore(%dma_wait3A_154 : memref<!tpu.dma_semaphore, #tpu.memory_space<semaphore_mem>>) src(%dma_wait3A_159 : memref<32x128xf32, #tpu.memory_space<hbm>>) dst(%dma_wait3A_157 : memref<32x128xf32, #tpu.memory_space<vmem>>)
    %scan3A_160 = arith.constant 0 : i32
    %scan3A_161 = arith.constant 2.500000e-01 : f32
    %scan3A_162 = arith.constant 32 : i32
    %scan3A_163 = arith.constant 32 : i32
    %scan3A_164 = arith.addi %scan3A_162, %scan3A_163 : i32
    %scan3A_165 = arith.constant 4 : i32
    scf.for %scan3A_310 = %scan3A_162 to %scan3A_164 step %scan3A_165  : i32 {
      %gather3A = arith.constant 0 : i32
      %gather3A_311 = tpu.memref_slice %arg4[%scan3A_310, %gather3A] : memref<128x128xf32, #tpu.memory_space<vmem>> -> memref<1x128xf32, #tpu.memory_space<vmem>>
      %gather3A_312 = tpu.memref_squeeze %gather3A_311 : memref<1x128xf32, #tpu.memory_space<vmem>> -> memref<128xf32, #tpu.memory_space<vmem>>
      %gather3A_313 = tpu.vector_load_idx %gather3A_312[%add3A_69] : memref<128xf32, #tpu.memory_space<vmem>>[vector<16xi32>], vector<16xf32>,
      %gather3A_314 = arith.constant 0 : i32
      %gather3A_315 = tpu.memref_slice %arg4[%scan3A_310, %gather3A_314] : memref<128x128xf32, #tpu.memory_space<vmem>> -> memref<1x128xf32, #tpu.memory_space<vmem>>
      %gather3A_316 = tpu.memref_squeeze %gather3A_315 : memref<1x128xf32, #tpu.memory_space<vmem>> -> memref<128xf32, #tpu.memory_space<vmem>>
      %gather3A_317 = tpu.vector_load_idx %gather3A_316[%add3A_75] : memref<128xf32, #tpu.memory_space<vmem>>[vector<16xi32>], vector<16xf32>,
      %add3A_318 = arith.addf %gather3A_313, %gather3A_317 : vector<16xf32>
      %gather3A_319 = arith.constant 0 : i32
      %gather3A_320 = tpu.memref_slice %arg4[%scan3A_310, %gather3A_319] : memref<128x128xf32, #tpu.memory_space<vmem>> -> memref<1x128xf32, #tpu.memory_space<vmem>>
      %gather3A_321 = tpu.memref_squeeze %gather3A_320 : memref<1x128xf32, #tpu.memory_space<vmem>> -> memref<128xf32, #tpu.memory_space<vmem>>
      %gather3A_322 = tpu.vector_load_idx %gather3A_321[%add3A_81] : memref<128xf32, #tpu.memory_space<vmem>>[vector<16xi32>], vector<16xf32>,
      %add3A_323 = arith.addf %add3A_318, %gather3A_322 : vector<16xf32>
      %gather3A_324 = arith.constant 0 : i32
      %gather3A_325 = tpu.memref_slice %arg4[%scan3A_310, %gather3A_324] : memref<128x128xf32, #tpu.memory_space<vmem>> -> memref<1x128xf32, #tpu.memory_space<vmem>>
      %gather3A_326 = tpu.memref_squeeze %gather3A_325 : memref<1x128xf32, #tpu.memory_space<vmem>> -> memref<128xf32, #tpu.memory_space<vmem>>
      %gather3A_327 = tpu.vector_load_idx %gather3A_326[%add3A_87] : memref<128xf32, #tpu.memory_space<vmem>>[vector<16xi32>], vector<16xf32>,
      %add3A_328 = arith.addf %add3A_323, %gather3A_327 : vector<16xf32>
      %mul3A_329 = vector.broadcast %scan3A_161 : f32 to vector<16xf32>
      %mul3A_330 = arith.mulf %add3A_328, %mul3A_329 : vector<16xf32>
      %swap3A = arith.index_cast %scan3A_310 : i32 to index
      %swap3A_331 = arith.constant 0 : index
      %swap3A_332 = tpu.vector_load %arg5[%swap3A, %swap3A_331] {strides = array<i32>} : memref<128x32xf32, #tpu.memory_space<vmem>>, vector<16xf32>,
      tpu.vector_store %arg5[%swap3A, %swap3A_331], %mul3A_330 {strides = array<i32>} : memref<128x32xf32, #tpu.memory_space<vmem>>, vector<16xf32>,
      %gather3A_333 = arith.constant 0 : i32
      %gather3A_334 = tpu.memref_slice %arg4[%scan3A_310, %gather3A_333] : memref<128x128xf32, #tpu.memory_space<vmem>> -> memref<1x128xf32, #tpu.memory_space<vmem>>
      %gather3A_335 = tpu.memref_squeeze %gather3A_334 : memref<1x128xf32, #tpu.memory_space<vmem>> -> memref<128xf32, #tpu.memory_space<vmem>>
      %gather3A_336 = tpu.vector_load_idx %gather3A_335[%add3A_93] : memref<128xf32, #tpu.memory_space<vmem>>[vector<16xi32>], vector<16xf32>,
      %gather3A_337 = arith.constant 0 : i32
      %gather3A_338 = tpu.memref_slice %arg4[%scan3A_310, %gather3A_337] : memref<128x128xf32, #tpu.memory_space<vmem>> -> memref<1x128xf32, #tpu.memory_space<vmem>>
      %gather3A_339 = tpu.memref_squeeze %gather3A_338 : memref<1x128xf32, #tpu.memory_space<vmem>> -> memref<128xf32, #tpu.memory_space<vmem>>
      %gather3A_340 = tpu.vector_load_idx %gather3A_339[%add3A_99] : memref<128xf32, #tpu.memory_space<vmem>>[vector<16xi32>], vector<16xf32>,
      %add3A_341 = arith.addf %gather3A_336, %gather3A_340 : vector<16xf32>
      %gather3A_342 = arith.constant 0 : i32
      %gather3A_343 = tpu.memref_slice %arg4[%scan3A_310, %gather3A_342] : memref<128x128xf32, #tpu.memory_space<vmem>> -> memref<1x128xf32, #tpu.memory_space<vmem>>
      %gather3A_344 = tpu.memref_squeeze %gather3A_343 : memref<1x128xf32, #tpu.memory_space<vmem>> -> memref<128xf32, #tpu.memory_space<vmem>>
      %gather3A_345 = tpu.vector_load_idx %gather3A_344[%add3A_105] : memref<128xf32, #tpu.memory_space<vmem>>[vector<16xi32>], vector<16xf32>,
      %add3A_346 = arith.addf %add3A_341, %gather3A_345 : vector<16xf32>
      %gather3A_347 = arith.constant 0 : i32
      %gather3A_348 = tpu.memref_slice %arg4[%scan3A_310, %gather3A_347] : memref<128x128xf32, #tpu.memory_space<vmem>> -> memref<1x128xf32, #tpu.memory_space<vmem>>
      %gather3A_349 = tpu.memref_squeeze %gather3A_348 : memref<1x128xf32, #tpu.memory_space<vmem>> -> memref<128xf32, #tpu.memory_space<vmem>>
      %gather3A_350 = tpu.vector_load_idx %gather3A_349[%add3A_111] : memref<128xf32, #tpu.memory_space<vmem>>[vector<16xi32>], vector<16xf32>,
      %add3A_351 = arith.addf %add3A_346, %gather3A_350 : vector<16xf32>
      %mul3A_352 = vector.broadcast %scan3A_161 : f32 to vector<16xf32>
      %mul3A_353 = arith.mulf %add3A_351, %mul3A_352 : vector<16xf32>
      %swap3A_354 = arith.index_cast %scan3A_310 : i32 to index
      %swap3A_355 = arith.constant 16 : index
      %swap3A_356 = tpu.vector_load %arg5[%swap3A_354, %swap3A_355] {strides = array<i32>} : memref<128x32xf32, #tpu.memory_space<vmem>>, vector<16xf32>,
      tpu.vector_store %arg5[%swap3A_354, %swap3A_355], %mul3A_353 {strides = array<i32>} : memref<128x32xf32, #tpu.memory_space<vmem>>, vector<16xf32>,
      %scan3A_357 = arith.constant 1 : i32
      %scan3A_358 = arith.addi %scan3A_310, %scan3A_357 : i32
      %gather3A_359 = arith.constant 0 : i32
      %gather3A_360 = tpu.memref_slice %arg4[%scan3A_358, %gather3A_359] : memref<128x128xf32, #tpu.memory_space<vmem>> -> memref<1x128xf32, #tpu.memory_space<vmem>>
      %gather3A_361 = tpu.memref_squeeze %gather3A_360 : memref<1x128xf32, #tpu.memory_space<vmem>> -> memref<128xf32, #tpu.memory_space<vmem>>
      %gather3A_362 = tpu.vector_load_idx %gather3A_361[%add3A_69] : memref<128xf32, #tpu.memory_space<vmem>>[vector<16xi32>], vector<16xf32>,
      %gather3A_363 = arith.constant 0 : i32
      %gather3A_364 = tpu.memref_slice %arg4[%scan3A_358, %gather3A_363] : memref<128x128xf32, #tpu.memory_space<vmem>> -> memref<1x128xf32, #tpu.memory_space<vmem>>
      %gather3A_365 = tpu.memref_squeeze %gather3A_364 : memref<1x128xf32, #tpu.memory_space<vmem>> -> memref<128xf32, #tpu.memory_space<vmem>>
      %gather3A_366 = tpu.vector_load_idx %gather3A_365[%add3A_75] : memref<128xf32, #tpu.memory_space<vmem>>[vector<16xi32>], vector<16xf32>,
      %add3A_367 = arith.addf %gather3A_362, %gather3A_366 : vector<16xf32>
      %gather3A_368 = arith.constant 0 : i32
      %gather3A_369 = tpu.memref_slice %arg4[%scan3A_358, %gather3A_368] : memref<128x128xf32, #tpu.memory_space<vmem>> -> memref<1x128xf32, #tpu.memory_space<vmem>>
      %gather3A_370 = tpu.memref_squeeze %gather3A_369 : memref<1x128xf32, #tpu.memory_space<vmem>> -> memref<128xf32, #tpu.memory_space<vmem>>
      %gather3A_371 = tpu.vector_load_idx %gather3A_370[%add3A_81] : memref<128xf32, #tpu.memory_space<vmem>>[vector<16xi32>], vector<16xf32>,
      %add3A_372 = arith.addf %add3A_367, %gather3A_371 : vector<16xf32>
      %gather3A_373 = arith.constant 0 : i32
      %gather3A_374 = tpu.memref_slice %arg4[%scan3A_358, %gather3A_373] : memref<128x128xf32, #tpu.memory_space<vmem>> -> memref<1x128xf32, #tpu.memory_space<vmem>>
      %gather3A_375 = tpu.memref_squeeze %gather3A_374 : memref<1x128xf32, #tpu.memory_space<vmem>> -> memref<128xf32, #tpu.memory_space<vmem>>
      %gather3A_376 = tpu.vector_load_idx %gather3A_375[%add3A_87] : memref<128xf32, #tpu.memory_space<vmem>>[vector<16xi32>], vector<16xf32>,
      %add3A_377 = arith.addf %add3A_372, %gather3A_376 : vector<16xf32>
      %mul3A_378 = vector.broadcast %scan3A_161 : f32 to vector<16xf32>
      %mul3A_379 = arith.mulf %add3A_377, %mul3A_378 : vector<16xf32>
      %swap3A_380 = arith.index_cast %scan3A_358 : i32 to index
      %swap3A_381 = arith.constant 0 : index
      %swap3A_382 = tpu.vector_load %arg5[%swap3A_380, %swap3A_381] {strides = array<i32>} : memref<128x32xf32, #tpu.memory_space<vmem>>, vector<16xf32>,
      tpu.vector_store %arg5[%swap3A_380, %swap3A_381], %mul3A_379 {strides = array<i32>} : memref<128x32xf32, #tpu.memory_space<vmem>>, vector<16xf32>,
      %gather3A_383 = arith.constant 0 : i32
      %gather3A_384 = tpu.memref_slice %arg4[%scan3A_358, %gather3A_383] : memref<128x128xf32, #tpu.memory_space<vmem>> -> memref<1x128xf32, #tpu.memory_space<vmem>>
      %gather3A_385 = tpu.memref_squeeze %gather3A_384 : memref<1x128xf32, #tpu.memory_space<vmem>> -> memref<128xf32, #tpu.memory_space<vmem>>
      %gather3A_386 = tpu.vector_load_idx %gather3A_385[%add3A_93] : memref<128xf32, #tpu.memory_space<vmem>>[vector<16xi32>], vector<16xf32>,
      %gather3A_387 = arith.constant 0 : i32
      %gather3A_388 = tpu.memref_slice %arg4[%scan3A_358, %gather3A_387] : memref<128x128xf32, #tpu.memory_space<vmem>> -> memref<1x128xf32, #tpu.memory_space<vmem>>
      %gather3A_389 = tpu.memref_squeeze %gather3A_388 : memref<1x128xf32, #tpu.memory_space<vmem>> -> memref<128xf32, #tpu.memory_space<vmem>>
      %gather3A_390 = tpu.vector_load_idx %gather3A_389[%add3A_99] : memref<128xf32, #tpu.memory_space<vmem>>[vector<16xi32>], vector<16xf32>,
      %add3A_391 = arith.addf %gather3A_386, %gather3A_390 : vector<16xf32>
      %gather3A_392 = arith.constant 0 : i32
      %gather3A_393 = tpu.memref_slice %arg4[%scan3A_358, %gather3A_392] : memref<128x128xf32, #tpu.memory_space<vmem>> -> memref<1x128xf32, #tpu.memory_space<vmem>>
      %gather3A_394 = tpu.memref_squeeze %gather3A_393 : memref<1x128xf32, #tpu.memory_space<vmem>> -> memref<128xf32, #tpu.memory_space<vmem>>
      %gather3A_395 = tpu.vector_load_idx %gather3A_394[%add3A_105] : memref<128xf32, #tpu.memory_space<vmem>>[vector<16xi32>], vector<16xf32>,
      %add3A_396 = arith.addf %add3A_391, %gather3A_395 : vector<16xf32>
      %gather3A_397 = arith.constant 0 : i32
      %gather3A_398 = tpu.memref_slice %arg4[%scan3A_358, %gather3A_397] : memref<128x128xf32, #tpu.memory_space<vmem>> -> memref<1x128xf32, #tpu.memory_space<vmem>>
      %gather3A_399 = tpu.memref_squeeze %gather3A_398 : memref<1x128xf32, #tpu.memory_space<vmem>> -> memref<128xf32, #tpu.memory_space<vmem>>
      %gather3A_400 = tpu.vector_load_idx %gather3A_399[%add3A_111] : memref<128xf32, #tpu.memory_space<vmem>>[vector<16xi32>], vector<16xf32>,
      %add3A_401 = arith.addf %add3A_396, %gather3A_400 : vector<16xf32>
      %mul3A_402 = vector.broadcast %scan3A_161 : f32 to vector<16xf32>
      %mul3A_403 = arith.mulf %add3A_401, %mul3A_402 : vector<16xf32>
      %swap3A_404 = arith.index_cast %scan3A_358 : i32 to index
      %swap3A_405 = arith.constant 16 : index
      %swap3A_406 = tpu.vector_load %arg5[%swap3A_404, %swap3A_405] {strides = array<i32>} : memref<128x32xf32, #tpu.memory_space<vmem>>, vector<16xf32>,
      tpu.vector_store %arg5[%swap3A_404, %swap3A_405], %mul3A_403 {strides = array<i32>} : memref<128x32xf32, #tpu.memory_space<vmem>>, vector<16xf32>,
      %scan3A_407 = arith.constant 2 : i32
      %scan3A_408 = arith.addi %scan3A_310, %scan3A_407 : i32
      %gather3A_409 = arith.constant 0 : i32
      %gather3A_410 = tpu.memref_slice %arg4[%scan3A_408, %gather3A_409] : memref<128x128xf32, #tpu.memory_space<vmem>> -> memref<1x128xf32, #tpu.memory_space<vmem>>
      %gather3A_411 = tpu.memref_squeeze %gather3A_410 : memref<1x128xf32, #tpu.memory_space<vmem>> -> memref<128xf32, #tpu.memory_space<vmem>>
      %gather3A_412 = tpu.vector_load_idx %gather3A_411[%add3A_69] : memref<128xf32, #tpu.memory_space<vmem>>[vector<16xi32>], vector<16xf32>,
      %gather3A_413 = arith.constant 0 : i32
      %gather3A_414 = tpu.memref_slice %arg4[%scan3A_408, %gather3A_413] : memref<128x128xf32, #tpu.memory_space<vmem>> -> memref<1x128xf32, #tpu.memory_space<vmem>>
      %gather3A_415 = tpu.memref_squeeze %gather3A_414 : memref<1x128xf32, #tpu.memory_space<vmem>> -> memref<128xf32, #tpu.memory_space<vmem>>
      %gather3A_416 = tpu.vector_load_idx %gather3A_415[%add3A_75] : memref<128xf32, #tpu.memory_space<vmem>>[vector<16xi32>], vector<16xf32>,
      %add3A_417 = arith.addf %gather3A_412, %gather3A_416 : vector<16xf32>
      %gather3A_418 = arith.constant 0 : i32
      %gather3A_419 = tpu.memref_slice %arg4[%scan3A_408, %gather3A_418] : memref<128x128xf32, #tpu.memory_space<vmem>> -> memref<1x128xf32, #tpu.memory_space<vmem>>
      %gather3A_420 = tpu.memref_squeeze %gather3A_419 : memref<1x128xf32, #tpu.memory_space<vmem>> -> memref<128xf32, #tpu.memory_space<vmem>>
      %gather3A_421 = tpu.vector_load_idx %gather3A_420[%add3A_81] : memref<128xf32, #tpu.memory_space<vmem>>[vector<16xi32>], vector<16xf32>,
      %add3A_422 = arith.addf %add3A_417, %gather3A_421 : vector<16xf32>
      %gather3A_423 = arith.constant 0 : i32
      %gather3A_424 = tpu.memref_slice %arg4[%scan3A_408, %gather3A_423] : memref<128x128xf32, #tpu.memory_space<vmem>> -> memref<1x128xf32, #tpu.memory_space<vmem>>
      %gather3A_425 = tpu.memref_squeeze %gather3A_424 : memref<1x128xf32, #tpu.memory_space<vmem>> -> memref<128xf32, #tpu.memory_space<vmem>>
      %gather3A_426 = tpu.vector_load_idx %gather3A_425[%add3A_87] : memref<128xf32, #tpu.memory_space<vmem>>[vector<16xi32>], vector<16xf32>,
      %add3A_427 = arith.addf %add3A_422, %gather3A_426 : vector<16xf32>
      %mul3A_428 = vector.broadcast %scan3A_161 : f32 to vector<16xf32>
      %mul3A_429 = arith.mulf %add3A_427, %mul3A_428 : vector<16xf32>
      %swap3A_430 = arith.index_cast %scan3A_408 : i32 to index
      %swap3A_431 = arith.constant 0 : index
      %swap3A_432 = tpu.vector_load %arg5[%swap3A_430, %swap3A_431] {strides = array<i32>} : memref<128x32xf32, #tpu.memory_space<vmem>>, vector<16xf32>,
      tpu.vector_store %arg5[%swap3A_430, %swap3A_431], %mul3A_429 {strides = array<i32>} : memref<128x32xf32, #tpu.memory_space<vmem>>, vector<16xf32>,
      %gather3A_433 = arith.constant 0 : i32
      %gather3A_434 = tpu.memref_slice %arg4[%scan3A_408, %gather3A_433] : memref<128x128xf32, #tpu.memory_space<vmem>> -> memref<1x128xf32, #tpu.memory_space<vmem>>
      %gather3A_435 = tpu.memref_squeeze %gather3A_434 : memref<1x128xf32, #tpu.memory_space<vmem>> -> memref<128xf32, #tpu.memory_space<vmem>>
      %gather3A_436 = tpu.vector_load_idx %gather3A_435[%add3A_93] : memref<128xf32, #tpu.memory_space<vmem>>[vector<16xi32>], vector<16xf32>,
      %gather3A_437 = arith.constant 0 : i32
      %gather3A_438 = tpu.memref_slice %arg4[%scan3A_408, %gather3A_437] : memref<128x128xf32, #tpu.memory_space<vmem>> -> memref<1x128xf32, #tpu.memory_space<vmem>>
      %gather3A_439 = tpu.memref_squeeze %gather3A_438 : memref<1x128xf32, #tpu.memory_space<vmem>> -> memref<128xf32, #tpu.memory_space<vmem>>
      %gather3A_440 = tpu.vector_load_idx %gather3A_439[%add3A_99] : memref<128xf32, #tpu.memory_space<vmem>>[vector<16xi32>], vector<16xf32>,
      %add3A_441 = arith.addf %gather3A_436, %gather3A_440 : vector<16xf32>
      %gather3A_442 = arith.constant 0 : i32
      %gather3A_443 = tpu.memref_slice %arg4[%scan3A_408, %gather3A_442] : memref<128x128xf32, #tpu.memory_space<vmem>> -> memref<1x128xf32, #tpu.memory_space<vmem>>
      %gather3A_444 = tpu.memref_squeeze %gather3A_443 : memref<1x128xf32, #tpu.memory_space<vmem>> -> memref<128xf32, #tpu.memory_space<vmem>>
      %gather3A_445 = tpu.vector_load_idx %gather3A_444[%add3A_105] : memref<128xf32, #tpu.memory_space<vmem>>[vector<16xi32>], vector<16xf32>,
      %add3A_446 = arith.addf %add3A_441, %gather3A_445 : vector<16xf32>
      %gather3A_447 = arith.constant 0 : i32
      %gather3A_448 = tpu.memref_slice %arg4[%scan3A_408, %gather3A_447] : memref<128x128xf32, #tpu.memory_space<vmem>> -> memref<1x128xf32, #tpu.memory_space<vmem>>
      %gather3A_449 = tpu.memref_squeeze %gather3A_448 : memref<1x128xf32, #tpu.memory_space<vmem>> -> memref<128xf32, #tpu.memory_space<vmem>>
      %gather3A_450 = tpu.vector_load_idx %gather3A_449[%add3A_111] : memref<128xf32, #tpu.memory_space<vmem>>[vector<16xi32>], vector<16xf32>,
      %add3A_451 = arith.addf %add3A_446, %gather3A_450 : vector<16xf32>
      %mul3A_452 = vector.broadcast %scan3A_161 : f32 to vector<16xf32>
      %mul3A_453 = arith.mulf %add3A_451, %mul3A_452 : vector<16xf32>
      %swap3A_454 = arith.index_cast %scan3A_408 : i32 to index
      %swap3A_455 = arith.constant 16 : index
      %swap3A_456 = tpu.vector_load %arg5[%swap3A_454, %swap3A_455] {strides = array<i32>} : memref<128x32xf32, #tpu.memory_space<vmem>>, vector<16xf32>,
      tpu.vector_store %arg5[%swap3A_454, %swap3A_455], %mul3A_453 {strides = array<i32>} : memref<128x32xf32, #tpu.memory_space<vmem>>, vector<16xf32>,
      %scan3A_457 = arith.constant 3 : i32
      %scan3A_458 = arith.addi %scan3A_310, %scan3A_457 : i32
      %gather3A_459 = arith.constant 0 : i32
      %gather3A_460 = tpu.memref_slice %arg4[%scan3A_458, %gather3A_459] : memref<128x128xf32, #tpu.memory_space<vmem>> -> memref<1x128xf32, #tpu.memory_space<vmem>>
      %gather3A_461 = tpu.memref_squeeze %gather3A_460 : memref<1x128xf32, #tpu.memory_space<vmem>> -> memref<128xf32, #tpu.memory_space<vmem>>
      %gather3A_462 = tpu.vector_load_idx %gather3A_461[%add3A_69] : memref<128xf32, #tpu.memory_space<vmem>>[vector<16xi32>], vector<16xf32>,
      %gather3A_463 = arith.constant 0 : i32
      %gather3A_464 = tpu.memref_slice %arg4[%scan3A_458, %gather3A_463] : memref<128x128xf32, #tpu.memory_space<vmem>> -> memref<1x128xf32, #tpu.memory_space<vmem>>
      %gather3A_465 = tpu.memref_squeeze %gather3A_464 : memref<1x128xf32, #tpu.memory_space<vmem>> -> memref<128xf32, #tpu.memory_space<vmem>>
      %gather3A_466 = tpu.vector_load_idx %gather3A_465[%add3A_75] : memref<128xf32, #tpu.memory_space<vmem>>[vector<16xi32>], vector<16xf32>,
      %add3A_467 = arith.addf %gather3A_462, %gather3A_466 : vector<16xf32>
      %gather3A_468 = arith.constant 0 : i32
      %gather3A_469 = tpu.memref_slice %arg4[%scan3A_458, %gather3A_468] : memref<128x128xf32, #tpu.memory_space<vmem>> -> memref<1x128xf32, #tpu.memory_space<vmem>>
      %gather3A_470 = tpu.memref_squeeze %gather3A_469 : memref<1x128xf32, #tpu.memory_space<vmem>> -> memref<128xf32, #tpu.memory_space<vmem>>
      %gather3A_471 = tpu.vector_load_idx %gather3A_470[%add3A_81] : memref<128xf32, #tpu.memory_space<vmem>>[vector<16xi32>], vector<16xf32>,
      %add3A_472 = arith.addf %add3A_467, %gather3A_471 : vector<16xf32>
      %gather3A_473 = arith.constant 0 : i32
      %gather3A_474 = tpu.memref_slice %arg4[%scan3A_458, %gather3A_473] : memref<128x128xf32, #tpu.memory_space<vmem>> -> memref<1x128xf32, #tpu.memory_space<vmem>>
      %gather3A_475 = tpu.memref_squeeze %gather3A_474 : memref<1x128xf32, #tpu.memory_space<vmem>> -> memref<128xf32, #tpu.memory_space<vmem>>
      %gather3A_476 = tpu.vector_load_idx %gather3A_475[%add3A_87] : memref<128xf32, #tpu.memory_space<vmem>>[vector<16xi32>], vector<16xf32>,
      %add3A_477 = arith.addf %add3A_472, %gather3A_476 : vector<16xf32>
      %mul3A_478 = vector.broadcast %scan3A_161 : f32 to vector<16xf32>
      %mul3A_479 = arith.mulf %add3A_477, %mul3A_478 : vector<16xf32>
      %swap3A_480 = arith.index_cast %scan3A_458 : i32 to index
      %swap3A_481 = arith.constant 0 : index
      %swap3A_482 = tpu.vector_load %arg5[%swap3A_480, %swap3A_481] {strides = array<i32>} : memref<128x32xf32, #tpu.memory_space<vmem>>, vector<16xf32>,
      tpu.vector_store %arg5[%swap3A_480, %swap3A_481], %mul3A_479 {strides = array<i32>} : memref<128x32xf32, #tpu.memory_space<vmem>>, vector<16xf32>,
      %gather3A_483 = arith.constant 0 : i32
      %gather3A_484 = tpu.memref_slice %arg4[%scan3A_458, %gather3A_483] : memref<128x128xf32, #tpu.memory_space<vmem>> -> memref<1x128xf32, #tpu.memory_space<vmem>>
      %gather3A_485 = tpu.memref_squeeze %gather3A_484 : memref<1x128xf32, #tpu.memory_space<vmem>> -> memref<128xf32, #tpu.memory_space<vmem>>
      %gather3A_486 = tpu.vector_load_idx %gather3A_485[%add3A_93] : memref<128xf32, #tpu.memory_space<vmem>>[vector<16xi32>], vector<16xf32>,
      %gather3A_487 = arith.constant 0 : i32
      %gather3A_488 = tpu.memref_slice %arg4[%scan3A_458, %gather3A_487] : memref<128x128xf32, #tpu.memory_space<vmem>> -> memref<1x128xf32, #tpu.memory_space<vmem>>
      %gather3A_489 = tpu.memref_squeeze %gather3A_488 : memref<1x128xf32, #tpu.memory_space<vmem>> -> memref<128xf32, #tpu.memory_space<vmem>>
      %gather3A_490 = tpu.vector_load_idx %gather3A_489[%add3A_99] : memref<128xf32, #tpu.memory_space<vmem>>[vector<16xi32>], vector<16xf32>,
      %add3A_491 = arith.addf %gather3A_486, %gather3A_490 : vector<16xf32>
      %gather3A_492 = arith.constant 0 : i32
      %gather3A_493 = tpu.memref_slice %arg4[%scan3A_458, %gather3A_492] : memref<128x128xf32, #tpu.memory_space<vmem>> -> memref<1x128xf32, #tpu.memory_space<vmem>>
      %gather3A_494 = tpu.memref_squeeze %gather3A_493 : memref<1x128xf32, #tpu.memory_space<vmem>> -> memref<128xf32, #tpu.memory_space<vmem>>
      %gather3A_495 = tpu.vector_load_idx %gather3A_494[%add3A_105] : memref<128xf32, #tpu.memory_space<vmem>>[vector<16xi32>], vector<16xf32>,
      %add3A_496 = arith.addf %add3A_491, %gather3A_495 : vector<16xf32>
      %gather3A_497 = arith.constant 0 : i32
      %gather3A_498 = tpu.memref_slice %arg4[%scan3A_458, %gather3A_497] : memref<128x128xf32, #tpu.memory_space<vmem>> -> memref<1x128xf32, #tpu.memory_space<vmem>>
      %gather3A_499 = tpu.memref_squeeze %gather3A_498 : memref<1x128xf32, #tpu.memory_space<vmem>> -> memref<128xf32, #tpu.memory_space<vmem>>
      %gather3A_500 = tpu.vector_load_idx %gather3A_499[%add3A_111] : memref<128xf32, #tpu.memory_space<vmem>>[vector<16xi32>], vector<16xf32>,
      %add3A_501 = arith.addf %add3A_496, %gather3A_500 : vector<16xf32>
      %mul3A_502 = vector.broadcast %scan3A_161 : f32 to vector<16xf32>
      %mul3A_503 = arith.mulf %add3A_501, %mul3A_502 : vector<16xf32>
      %swap3A_504 = arith.index_cast %scan3A_458 : i32 to index
      %swap3A_505 = arith.constant 16 : index
      %swap3A_506 = tpu.vector_load %arg5[%swap3A_504, %swap3A_505] {strides = array<i32>} : memref<128x32xf32, #tpu.memory_space<vmem>>, vector<16xf32>,
      tpu.vector_store %arg5[%swap3A_504, %swap3A_505], %mul3A_503 {strides = array<i32>} : memref<128x32xf32, #tpu.memory_space<vmem>>, vector<16xf32>,
    }
    %scan3A_166 = arith.constant 32 : i32
    %mul3A_167 = arith.constant 128 : i32
    %mul3A_168 = arith.muli %add3A, %mul3A_167 : i32
    %add3A_169 = arith.constant 32 : i32
    %add3A_170 = arith.addi %mul3A_168, %add3A_169 : i32
    %dma_start3A_171 = arith.constant 1 : i32
    %dma_start3A_172 = arith.constant 32 : i32
    %dma_start3A_173 = arith.constant 0 : i32
    %dma_start3A_174 = tpu.memref_slice %arg5[%dma_start3A_172, %dma_start3A_173] : memref<128x32xf32, #tpu.memory_space<vmem>> -> memref<32x32xf32, #tpu.memory_space<vmem>>
    %dma_start3A_175 = arith.constant 0 : i32
    %dma_start3A_176 = tpu.memref_slice %arg3[%add3A_170, %dma_start3A_175] : memref<4096x32xf32, #tpu.memory_space<hbm>> -> memref<32x32xf32, #tpu.memory_space<hbm>>
    %dma_start3A_177 = tpu.memref_slice %arg7[%dma_start3A_171] : memref<4x!tpu.dma_semaphore, #tpu.memory_space<semaphore_mem>> -> memref<1x!tpu.dma_semaphore, #tpu.memory_space<semaphore_mem>>
    %dma_start3A_178 = tpu.memref_squeeze %dma_start3A_177 : memref<1x!tpu.dma_semaphore, #tpu.memory_space<semaphore_mem>> -> memref<!tpu.dma_semaphore, #tpu.memory_space<semaphore_mem>>
    %dma_start3A_179 = arith.constant 0 : i32
    %dma_start3A_180 = tpu.memref_slice %arg3[%add3A_170, %dma_start3A_179] : memref<4096x32xf32, #tpu.memory_space<hbm>> -> memref<32x32xf32, #tpu.memory_space<hbm>>
    %dma_start3A_181 = arith.constant 32 : i32
    %dma_start3A_182 = arith.constant 0 : i32
    %dma_start3A_183 = tpu.memref_slice %arg5[%dma_start3A_181, %dma_start3A_182] : memref<128x32xf32, #tpu.memory_space<vmem>> -> memref<32x32xf32, #tpu.memory_space<vmem>>
    tpu.enqueue_dma source(%dma_start3A_183 : memref<32x32xf32, #tpu.memory_space<vmem>>) target(%dma_start3A_180 : memref<32x32xf32, #tpu.memory_space<hbm>>) target_semaphore(%dma_start3A_178 : memref<!tpu.dma_semaphore, #tpu.memory_space<semaphore_mem>>)
    %dma_wait3A_184 = arith.constant 2 : i32
    %dma_wait3A_185 = arith.constant 64 : i32
    %dma_wait3A_186 = arith.constant 0 : i32
    %dma_wait3A_187 = tpu.memref_slice %arg4[%dma_wait3A_185, %dma_wait3A_186] : memref<128x128xf32, #tpu.memory_space<vmem>> -> memref<32x128xf32, #tpu.memory_space<vmem>>
    %dma_wait3A_188 = arith.constant 0 : i32
    %dma_wait3A_189 = tpu.memref_slice %arg2[%add3A_35, %dma_wait3A_188] : memref<16384x2048xf32, #tpu.memory_space<hbm>> -> memref<32x128xf32, #tpu.memory_space<hbm>>
    %dma_wait3A_190 = tpu.memref_slice %arg6[%dma_wait3A_184] : memref<4x!tpu.dma_semaphore, #tpu.memory_space<semaphore_mem>> -> memref<1x!tpu.dma_semaphore, #tpu.memory_space<semaphore_mem>>
    %dma_wait3A_191 = tpu.memref_squeeze %dma_wait3A_190 : memref<1x!tpu.dma_semaphore, #tpu.memory_space<semaphore_mem>> -> memref<!tpu.dma_semaphore, #tpu.memory_space<semaphore_mem>>
    %dma_wait3A_192 = arith.constant 64 : i32
    %dma_wait3A_193 = arith.constant 0 : i32
    %dma_wait3A_194 = tpu.memref_slice %arg4[%dma_wait3A_192, %dma_wait3A_193] : memref<128x128xf32, #tpu.memory_space<vmem>> -> memref<32x128xf32, #tpu.memory_space<vmem>>
    %dma_wait3A_195 = arith.constant 0 : i32
    %dma_wait3A_196 = tpu.memref_slice %arg2[%add3A_35, %dma_wait3A_195] : memref<16384x2048xf32, #tpu.memory_space<hbm>> -> memref<32x128xf32, #tpu.memory_space<hbm>>
    tpu.wait_dma2 semaphore(%dma_wait3A_191 : memref<!tpu.dma_semaphore, #tpu.memory_space<semaphore_mem>>) src(%dma_wait3A_196 : memref<32x128xf32, #tpu.memory_space<hbm>>) dst(%dma_wait3A_194 : memref<32x128xf32, #tpu.memory_space<vmem>>)
    %scan3A_197 = arith.constant 0 : i32
    %scan3A_198 = arith.constant 2.500000e-01 : f32
    %scan3A_199 = arith.constant 64 : i32
    %scan3A_200 = arith.constant 32 : i32
    %scan3A_201 = arith.addi %scan3A_199, %scan3A_200 : i32
    %scan3A_202 = arith.constant 4 : i32
    scf.for %scan3A_310 = %scan3A_199 to %scan3A_201 step %scan3A_202  : i32 {
      %gather3A = arith.constant 0 : i32
      %gather3A_311 = tpu.memref_slice %arg4[%scan3A_310, %gather3A] : memref<128x128xf32, #tpu.memory_space<vmem>> -> memref<1x128xf32, #tpu.memory_space<vmem>>
      %gather3A_312 = tpu.memref_squeeze %gather3A_311 : memref<1x128xf32, #tpu.memory_space<vmem>> -> memref<128xf32, #tpu.memory_space<vmem>>
      %gather3A_313 = tpu.vector_load_idx %gather3A_312[%add3A_69] : memref<128xf32, #tpu.memory_space<vmem>>[vector<16xi32>], vector<16xf32>,
      %gather3A_314 = arith.constant 0 : i32
      %gather3A_315 = tpu.memref_slice %arg4[%scan3A_310, %gather3A_314] : memref<128x128xf32, #tpu.memory_space<vmem>> -> memref<1x128xf32, #tpu.memory_space<vmem>>
      %gather3A_316 = tpu.memref_squeeze %gather3A_315 : memref<1x128xf32, #tpu.memory_space<vmem>> -> memref<128xf32, #tpu.memory_space<vmem>>
      %gather3A_317 = tpu.vector_load_idx %gather3A_316[%add3A_75] : memref<128xf32, #tpu.memory_space<vmem>>[vector<16xi32>], vector<16xf32>,
      %add3A_318 = arith.addf %gather3A_313, %gather3A_317 : vector<16xf32>
      %gather3A_319 = arith.constant 0 : i32
      %gather3A_320 = tpu.memref_slice %arg4[%scan3A_310, %gather3A_319] : memref<128x128xf32, #tpu.memory_space<vmem>> -> memref<1x128xf32, #tpu.memory_space<vmem>>
      %gather3A_321 = tpu.memref_squeeze %gather3A_320 : memref<1x128xf32, #tpu.memory_space<vmem>> -> memref<128xf32, #tpu.memory_space<vmem>>
      %gather3A_322 = tpu.vector_load_idx %gather3A_321[%add3A_81] : memref<128xf32, #tpu.memory_space<vmem>>[vector<16xi32>], vector<16xf32>,
      %add3A_323 = arith.addf %add3A_318, %gather3A_322 : vector<16xf32>
      %gather3A_324 = arith.constant 0 : i32
      %gather3A_325 = tpu.memref_slice %arg4[%scan3A_310, %gather3A_324] : memref<128x128xf32, #tpu.memory_space<vmem>> -> memref<1x128xf32, #tpu.memory_space<vmem>>
      %gather3A_326 = tpu.memref_squeeze %gather3A_325 : memref<1x128xf32, #tpu.memory_space<vmem>> -> memref<128xf32, #tpu.memory_space<vmem>>
      %gather3A_327 = tpu.vector_load_idx %gather3A_326[%add3A_87] : memref<128xf32, #tpu.memory_space<vmem>>[vector<16xi32>], vector<16xf32>,
      %add3A_328 = arith.addf %add3A_323, %gather3A_327 : vector<16xf32>
      %mul3A_329 = vector.broadcast %scan3A_198 : f32 to vector<16xf32>
      %mul3A_330 = arith.mulf %add3A_328, %mul3A_329 : vector<16xf32>
      %swap3A = arith.index_cast %scan3A_310 : i32 to index
      %swap3A_331 = arith.constant 0 : index
      %swap3A_332 = tpu.vector_load %arg5[%swap3A, %swap3A_331] {strides = array<i32>} : memref<128x32xf32, #tpu.memory_space<vmem>>, vector<16xf32>,
      tpu.vector_store %arg5[%swap3A, %swap3A_331], %mul3A_330 {strides = array<i32>} : memref<128x32xf32, #tpu.memory_space<vmem>>, vector<16xf32>,
      %gather3A_333 = arith.constant 0 : i32
      %gather3A_334 = tpu.memref_slice %arg4[%scan3A_310, %gather3A_333] : memref<128x128xf32, #tpu.memory_space<vmem>> -> memref<1x128xf32, #tpu.memory_space<vmem>>
      %gather3A_335 = tpu.memref_squeeze %gather3A_334 : memref<1x128xf32, #tpu.memory_space<vmem>> -> memref<128xf32, #tpu.memory_space<vmem>>
      %gather3A_336 = tpu.vector_load_idx %gather3A_335[%add3A_93] : memref<128xf32, #tpu.memory_space<vmem>>[vector<16xi32>], vector<16xf32>,
      %gather3A_337 = arith.constant 0 : i32
      %gather3A_338 = tpu.memref_slice %arg4[%scan3A_310, %gather3A_337] : memref<128x128xf32, #tpu.memory_space<vmem>> -> memref<1x128xf32, #tpu.memory_space<vmem>>
      %gather3A_339 = tpu.memref_squeeze %gather3A_338 : memref<1x128xf32, #tpu.memory_space<vmem>> -> memref<128xf32, #tpu.memory_space<vmem>>
      %gather3A_340 = tpu.vector_load_idx %gather3A_339[%add3A_99] : memref<128xf32, #tpu.memory_space<vmem>>[vector<16xi32>], vector<16xf32>,
      %add3A_341 = arith.addf %gather3A_336, %gather3A_340 : vector<16xf32>
      %gather3A_342 = arith.constant 0 : i32
      %gather3A_343 = tpu.memref_slice %arg4[%scan3A_310, %gather3A_342] : memref<128x128xf32, #tpu.memory_space<vmem>> -> memref<1x128xf32, #tpu.memory_space<vmem>>
      %gather3A_344 = tpu.memref_squeeze %gather3A_343 : memref<1x128xf32, #tpu.memory_space<vmem>> -> memref<128xf32, #tpu.memory_space<vmem>>
      %gather3A_345 = tpu.vector_load_idx %gather3A_344[%add3A_105] : memref<128xf32, #tpu.memory_space<vmem>>[vector<16xi32>], vector<16xf32>,
      %add3A_346 = arith.addf %add3A_341, %gather3A_345 : vector<16xf32>
      %gather3A_347 = arith.constant 0 : i32
      %gather3A_348 = tpu.memref_slice %arg4[%scan3A_310, %gather3A_347] : memref<128x128xf32, #tpu.memory_space<vmem>> -> memref<1x128xf32, #tpu.memory_space<vmem>>
      %gather3A_349 = tpu.memref_squeeze %gather3A_348 : memref<1x128xf32, #tpu.memory_space<vmem>> -> memref<128xf32, #tpu.memory_space<vmem>>
      %gather3A_350 = tpu.vector_load_idx %gather3A_349[%add3A_111] : memref<128xf32, #tpu.memory_space<vmem>>[vector<16xi32>], vector<16xf32>,
      %add3A_351 = arith.addf %add3A_346, %gather3A_350 : vector<16xf32>
      %mul3A_352 = vector.broadcast %scan3A_198 : f32 to vector<16xf32>
      %mul3A_353 = arith.mulf %add3A_351, %mul3A_352 : vector<16xf32>
      %swap3A_354 = arith.index_cast %scan3A_310 : i32 to index
      %swap3A_355 = arith.constant 16 : index
      %swap3A_356 = tpu.vector_load %arg5[%swap3A_354, %swap3A_355] {strides = array<i32>} : memref<128x32xf32, #tpu.memory_space<vmem>>, vector<16xf32>,
      tpu.vector_store %arg5[%swap3A_354, %swap3A_355], %mul3A_353 {strides = array<i32>} : memref<128x32xf32, #tpu.memory_space<vmem>>, vector<16xf32>,
      %scan3A_357 = arith.constant 1 : i32
      %scan3A_358 = arith.addi %scan3A_310, %scan3A_357 : i32
      %gather3A_359 = arith.constant 0 : i32
      %gather3A_360 = tpu.memref_slice %arg4[%scan3A_358, %gather3A_359] : memref<128x128xf32, #tpu.memory_space<vmem>> -> memref<1x128xf32, #tpu.memory_space<vmem>>
      %gather3A_361 = tpu.memref_squeeze %gather3A_360 : memref<1x128xf32, #tpu.memory_space<vmem>> -> memref<128xf32, #tpu.memory_space<vmem>>
      %gather3A_362 = tpu.vector_load_idx %gather3A_361[%add3A_69] : memref<128xf32, #tpu.memory_space<vmem>>[vector<16xi32>], vector<16xf32>,
      %gather3A_363 = arith.constant 0 : i32
      %gather3A_364 = tpu.memref_slice %arg4[%scan3A_358, %gather3A_363] : memref<128x128xf32, #tpu.memory_space<vmem>> -> memref<1x128xf32, #tpu.memory_space<vmem>>
      %gather3A_365 = tpu.memref_squeeze %gather3A_364 : memref<1x128xf32, #tpu.memory_space<vmem>> -> memref<128xf32, #tpu.memory_space<vmem>>
      %gather3A_366 = tpu.vector_load_idx %gather3A_365[%add3A_75] : memref<128xf32, #tpu.memory_space<vmem>>[vector<16xi32>], vector<16xf32>,
      %add3A_367 = arith.addf %gather3A_362, %gather3A_366 : vector<16xf32>
      %gather3A_368 = arith.constant 0 : i32
      %gather3A_369 = tpu.memref_slice %arg4[%scan3A_358, %gather3A_368] : memref<128x128xf32, #tpu.memory_space<vmem>> -> memref<1x128xf32, #tpu.memory_space<vmem>>
      %gather3A_370 = tpu.memref_squeeze %gather3A_369 : memref<1x128xf32, #tpu.memory_space<vmem>> -> memref<128xf32, #tpu.memory_space<vmem>>
      %gather3A_371 = tpu.vector_load_idx %gather3A_370[%add3A_81] : memref<128xf32, #tpu.memory_space<vmem>>[vector<16xi32>], vector<16xf32>,
      %add3A_372 = arith.addf %add3A_367, %gather3A_371 : vector<16xf32>
      %gather3A_373 = arith.constant 0 : i32
      %gather3A_374 = tpu.memref_slice %arg4[%scan3A_358, %gather3A_373] : memref<128x128xf32, #tpu.memory_space<vmem>> -> memref<1x128xf32, #tpu.memory_space<vmem>>
      %gather3A_375 = tpu.memref_squeeze %gather3A_374 : memref<1x128xf32, #tpu.memory_space<vmem>> -> memref<128xf32, #tpu.memory_space<vmem>>
      %gather3A_376 = tpu.vector_load_idx %gather3A_375[%add3A_87] : memref<128xf32, #tpu.memory_space<vmem>>[vector<16xi32>], vector<16xf32>,
      %add3A_377 = arith.addf %add3A_372, %gather3A_376 : vector<16xf32>
      %mul3A_378 = vector.broadcast %scan3A_198 : f32 to vector<16xf32>
      %mul3A_379 = arith.mulf %add3A_377, %mul3A_378 : vector<16xf32>
      %swap3A_380 = arith.index_cast %scan3A_358 : i32 to index
      %swap3A_381 = arith.constant 0 : index
      %swap3A_382 = tpu.vector_load %arg5[%swap3A_380, %swap3A_381] {strides = array<i32>} : memref<128x32xf32, #tpu.memory_space<vmem>>, vector<16xf32>,
      tpu.vector_store %arg5[%swap3A_380, %swap3A_381], %mul3A_379 {strides = array<i32>} : memref<128x32xf32, #tpu.memory_space<vmem>>, vector<16xf32>,
      %gather3A_383 = arith.constant 0 : i32
      %gather3A_384 = tpu.memref_slice %arg4[%scan3A_358, %gather3A_383] : memref<128x128xf32, #tpu.memory_space<vmem>> -> memref<1x128xf32, #tpu.memory_space<vmem>>
      %gather3A_385 = tpu.memref_squeeze %gather3A_384 : memref<1x128xf32, #tpu.memory_space<vmem>> -> memref<128xf32, #tpu.memory_space<vmem>>
      %gather3A_386 = tpu.vector_load_idx %gather3A_385[%add3A_93] : memref<128xf32, #tpu.memory_space<vmem>>[vector<16xi32>], vector<16xf32>,
      %gather3A_387 = arith.constant 0 : i32
      %gather3A_388 = tpu.memref_slice %arg4[%scan3A_358, %gather3A_387] : memref<128x128xf32, #tpu.memory_space<vmem>> -> memref<1x128xf32, #tpu.memory_space<vmem>>
      %gather3A_389 = tpu.memref_squeeze %gather3A_388 : memref<1x128xf32, #tpu.memory_space<vmem>> -> memref<128xf32, #tpu.memory_space<vmem>>
      %gather3A_390 = tpu.vector_load_idx %gather3A_389[%add3A_99] : memref<128xf32, #tpu.memory_space<vmem>>[vector<16xi32>], vector<16xf32>,
      %add3A_391 = arith.addf %gather3A_386, %gather3A_390 : vector<16xf32>
      %gather3A_392 = arith.constant 0 : i32
      %gather3A_393 = tpu.memref_slice %arg4[%scan3A_358, %gather3A_392] : memref<128x128xf32, #tpu.memory_space<vmem>> -> memref<1x128xf32, #tpu.memory_space<vmem>>
      %gather3A_394 = tpu.memref_squeeze %gather3A_393 : memref<1x128xf32, #tpu.memory_space<vmem>> -> memref<128xf32, #tpu.memory_space<vmem>>
      %gather3A_395 = tpu.vector_load_idx %gather3A_394[%add3A_105] : memref<128xf32, #tpu.memory_space<vmem>>[vector<16xi32>], vector<16xf32>,
      %add3A_396 = arith.addf %add3A_391, %gather3A_395 : vector<16xf32>
      %gather3A_397 = arith.constant 0 : i32
      %gather3A_398 = tpu.memref_slice %arg4[%scan3A_358, %gather3A_397] : memref<128x128xf32, #tpu.memory_space<vmem>> -> memref<1x128xf32, #tpu.memory_space<vmem>>
      %gather3A_399 = tpu.memref_squeeze %gather3A_398 : memref<1x128xf32, #tpu.memory_space<vmem>> -> memref<128xf32, #tpu.memory_space<vmem>>
      %gather3A_400 = tpu.vector_load_idx %gather3A_399[%add3A_111] : memref<128xf32, #tpu.memory_space<vmem>>[vector<16xi32>], vector<16xf32>,
      %add3A_401 = arith.addf %add3A_396, %gather3A_400 : vector<16xf32>
      %mul3A_402 = vector.broadcast %scan3A_198 : f32 to vector<16xf32>
      %mul3A_403 = arith.mulf %add3A_401, %mul3A_402 : vector<16xf32>
      %swap3A_404 = arith.index_cast %scan3A_358 : i32 to index
      %swap3A_405 = arith.constant 16 : index
      %swap3A_406 = tpu.vector_load %arg5[%swap3A_404, %swap3A_405] {strides = array<i32>} : memref<128x32xf32, #tpu.memory_space<vmem>>, vector<16xf32>,
      tpu.vector_store %arg5[%swap3A_404, %swap3A_405], %mul3A_403 {strides = array<i32>} : memref<128x32xf32, #tpu.memory_space<vmem>>, vector<16xf32>,
      %scan3A_407 = arith.constant 2 : i32
      %scan3A_408 = arith.addi %scan3A_310, %scan3A_407 : i32
      %gather3A_409 = arith.constant 0 : i32
      %gather3A_410 = tpu.memref_slice %arg4[%scan3A_408, %gather3A_409] : memref<128x128xf32, #tpu.memory_space<vmem>> -> memref<1x128xf32, #tpu.memory_space<vmem>>
      %gather3A_411 = tpu.memref_squeeze %gather3A_410 : memref<1x128xf32, #tpu.memory_space<vmem>> -> memref<128xf32, #tpu.memory_space<vmem>>
      %gather3A_412 = tpu.vector_load_idx %gather3A_411[%add3A_69] : memref<128xf32, #tpu.memory_space<vmem>>[vector<16xi32>], vector<16xf32>,
      %gather3A_413 = arith.constant 0 : i32
      %gather3A_414 = tpu.memref_slice %arg4[%scan3A_408, %gather3A_413] : memref<128x128xf32, #tpu.memory_space<vmem>> -> memref<1x128xf32, #tpu.memory_space<vmem>>
      %gather3A_415 = tpu.memref_squeeze %gather3A_414 : memref<1x128xf32, #tpu.memory_space<vmem>> -> memref<128xf32, #tpu.memory_space<vmem>>
      %gather3A_416 = tpu.vector_load_idx %gather3A_415[%add3A_75] : memref<128xf32, #tpu.memory_space<vmem>>[vector<16xi32>], vector<16xf32>,
      %add3A_417 = arith.addf %gather3A_412, %gather3A_416 : vector<16xf32>
      %gather3A_418 = arith.constant 0 : i32
      %gather3A_419 = tpu.memref_slice %arg4[%scan3A_408, %gather3A_418] : memref<128x128xf32, #tpu.memory_space<vmem>> -> memref<1x128xf32, #tpu.memory_space<vmem>>
      %gather3A_420 = tpu.memref_squeeze %gather3A_419 : memref<1x128xf32, #tpu.memory_space<vmem>> -> memref<128xf32, #tpu.memory_space<vmem>>
      %gather3A_421 = tpu.vector_load_idx %gather3A_420[%add3A_81] : memref<128xf32, #tpu.memory_space<vmem>>[vector<16xi32>], vector<16xf32>,
      %add3A_422 = arith.addf %add3A_417, %gather3A_421 : vector<16xf32>
      %gather3A_423 = arith.constant 0 : i32
      %gather3A_424 = tpu.memref_slice %arg4[%scan3A_408, %gather3A_423] : memref<128x128xf32, #tpu.memory_space<vmem>> -> memref<1x128xf32, #tpu.memory_space<vmem>>
      %gather3A_425 = tpu.memref_squeeze %gather3A_424 : memref<1x128xf32, #tpu.memory_space<vmem>> -> memref<128xf32, #tpu.memory_space<vmem>>
      %gather3A_426 = tpu.vector_load_idx %gather3A_425[%add3A_87] : memref<128xf32, #tpu.memory_space<vmem>>[vector<16xi32>], vector<16xf32>,
      %add3A_427 = arith.addf %add3A_422, %gather3A_426 : vector<16xf32>
      %mul3A_428 = vector.broadcast %scan3A_198 : f32 to vector<16xf32>
      %mul3A_429 = arith.mulf %add3A_427, %mul3A_428 : vector<16xf32>
      %swap3A_430 = arith.index_cast %scan3A_408 : i32 to index
      %swap3A_431 = arith.constant 0 : index
      %swap3A_432 = tpu.vector_load %arg5[%swap3A_430, %swap3A_431] {strides = array<i32>} : memref<128x32xf32, #tpu.memory_space<vmem>>, vector<16xf32>,
      tpu.vector_store %arg5[%swap3A_430, %swap3A_431], %mul3A_429 {strides = array<i32>} : memref<128x32xf32, #tpu.memory_space<vmem>>, vector<16xf32>,
      %gather3A_433 = arith.constant 0 : i32
      %gather3A_434 = tpu.memref_slice %arg4[%scan3A_408, %gather3A_433] : memref<128x128xf32, #tpu.memory_space<vmem>> -> memref<1x128xf32, #tpu.memory_space<vmem>>
      %gather3A_435 = tpu.memref_squeeze %gather3A_434 : memref<1x128xf32, #tpu.memory_space<vmem>> -> memref<128xf32, #tpu.memory_space<vmem>>
      %gather3A_436 = tpu.vector_load_idx %gather3A_435[%add3A_93] : memref<128xf32, #tpu.memory_space<vmem>>[vector<16xi32>], vector<16xf32>,
      %gather3A_437 = arith.constant 0 : i32
      %gather3A_438 = tpu.memref_slice %arg4[%scan3A_408, %gather3A_437] : memref<128x128xf32, #tpu.memory_space<vmem>> -> memref<1x128xf32, #tpu.memory_space<vmem>>
      %gather3A_439 = tpu.memref_squeeze %gather3A_438 : memref<1x128xf32, #tpu.memory_space<vmem>> -> memref<128xf32, #tpu.memory_space<vmem>>
      %gather3A_440 = tpu.vector_load_idx %gather3A_439[%add3A_99] : memref<128xf32, #tpu.memory_space<vmem>>[vector<16xi32>], vector<16xf32>,
      %add3A_441 = arith.addf %gather3A_436, %gather3A_440 : vector<16xf32>
      %gather3A_442 = arith.constant 0 : i32
      %gather3A_443 = tpu.memref_slice %arg4[%scan3A_408, %gather3A_442] : memref<128x128xf32, #tpu.memory_space<vmem>> -> memref<1x128xf32, #tpu.memory_space<vmem>>
      %gather3A_444 = tpu.memref_squeeze %gather3A_443 : memref<1x128xf32, #tpu.memory_space<vmem>> -> memref<128xf32, #tpu.memory_space<vmem>>
      %gather3A_445 = tpu.vector_load_idx %gather3A_444[%add3A_105] : memref<128xf32, #tpu.memory_space<vmem>>[vector<16xi32>], vector<16xf32>,
      %add3A_446 = arith.addf %add3A_441, %gather3A_445 : vector<16xf32>
      %gather3A_447 = arith.constant 0 : i32
      %gather3A_448 = tpu.memref_slice %arg4[%scan3A_408, %gather3A_447] : memref<128x128xf32, #tpu.memory_space<vmem>> -> memref<1x128xf32, #tpu.memory_space<vmem>>
      %gather3A_449 = tpu.memref_squeeze %gather3A_448 : memref<1x128xf32, #tpu.memory_space<vmem>> -> memref<128xf32, #tpu.memory_space<vmem>>
      %gather3A_450 = tpu.vector_load_idx %gather3A_449[%add3A_111] : memref<128xf32, #tpu.memory_space<vmem>>[vector<16xi32>], vector<16xf32>,
      %add3A_451 = arith.addf %add3A_446, %gather3A_450 : vector<16xf32>
      %mul3A_452 = vector.broadcast %scan3A_198 : f32 to vector<16xf32>
      %mul3A_453 = arith.mulf %add3A_451, %mul3A_452 : vector<16xf32>
      %swap3A_454 = arith.index_cast %scan3A_408 : i32 to index
      %swap3A_455 = arith.constant 16 : index
      %swap3A_456 = tpu.vector_load %arg5[%swap3A_454, %swap3A_455] {strides = array<i32>} : memref<128x32xf32, #tpu.memory_space<vmem>>, vector<16xf32>,
      tpu.vector_store %arg5[%swap3A_454, %swap3A_455], %mul3A_453 {strides = array<i32>} : memref<128x32xf32, #tpu.memory_space<vmem>>, vector<16xf32>,
      %scan3A_457 = arith.constant 3 : i32
      %scan3A_458 = arith.addi %scan3A_310, %scan3A_457 : i32
      %gather3A_459 = arith.constant 0 : i32
      %gather3A_460 = tpu.memref_slice %arg4[%scan3A_458, %gather3A_459] : memref<128x128xf32, #tpu.memory_space<vmem>> -> memref<1x128xf32, #tpu.memory_space<vmem>>
      %gather3A_461 = tpu.memref_squeeze %gather3A_460 : memref<1x128xf32, #tpu.memory_space<vmem>> -> memref<128xf32, #tpu.memory_space<vmem>>
      %gather3A_462 = tpu.vector_load_idx %gather3A_461[%add3A_69] : memref<128xf32, #tpu.memory_space<vmem>>[vector<16xi32>], vector<16xf32>,
      %gather3A_463 = arith.constant 0 : i32
      %gather3A_464 = tpu.memref_slice %arg4[%scan3A_458, %gather3A_463] : memref<128x128xf32, #tpu.memory_space<vmem>> -> memref<1x128xf32, #tpu.memory_space<vmem>>
      %gather3A_465 = tpu.memref_squeeze %gather3A_464 : memref<1x128xf32, #tpu.memory_space<vmem>> -> memref<128xf32, #tpu.memory_space<vmem>>
      %gather3A_466 = tpu.vector_load_idx %gather3A_465[%add3A_75] : memref<128xf32, #tpu.memory_space<vmem>>[vector<16xi32>], vector<16xf32>,
      %add3A_467 = arith.addf %gather3A_462, %gather3A_466 : vector<16xf32>
      %gather3A_468 = arith.constant 0 : i32
      %gather3A_469 = tpu.memref_slice %arg4[%scan3A_458, %gather3A_468] : memref<128x128xf32, #tpu.memory_space<vmem>> -> memref<1x128xf32, #tpu.memory_space<vmem>>
      %gather3A_470 = tpu.memref_squeeze %gather3A_469 : memref<1x128xf32, #tpu.memory_space<vmem>> -> memref<128xf32, #tpu.memory_space<vmem>>
      %gather3A_471 = tpu.vector_load_idx %gather3A_470[%add3A_81] : memref<128xf32, #tpu.memory_space<vmem>>[vector<16xi32>], vector<16xf32>,
      %add3A_472 = arith.addf %add3A_467, %gather3A_471 : vector<16xf32>
      %gather3A_473 = arith.constant 0 : i32
      %gather3A_474 = tpu.memref_slice %arg4[%scan3A_458, %gather3A_473] : memref<128x128xf32, #tpu.memory_space<vmem>> -> memref<1x128xf32, #tpu.memory_space<vmem>>
      %gather3A_475 = tpu.memref_squeeze %gather3A_474 : memref<1x128xf32, #tpu.memory_space<vmem>> -> memref<128xf32, #tpu.memory_space<vmem>>
      %gather3A_476 = tpu.vector_load_idx %gather3A_475[%add3A_87] : memref<128xf32, #tpu.memory_space<vmem>>[vector<16xi32>], vector<16xf32>,
      %add3A_477 = arith.addf %add3A_472, %gather3A_476 : vector<16xf32>
      %mul3A_478 = vector.broadcast %scan3A_198 : f32 to vector<16xf32>
      %mul3A_479 = arith.mulf %add3A_477, %mul3A_478 : vector<16xf32>
      %swap3A_480 = arith.index_cast %scan3A_458 : i32 to index
      %swap3A_481 = arith.constant 0 : index
      %swap3A_482 = tpu.vector_load %arg5[%swap3A_480, %swap3A_481] {strides = array<i32>} : memref<128x32xf32, #tpu.memory_space<vmem>>, vector<16xf32>,
      tpu.vector_store %arg5[%swap3A_480, %swap3A_481], %mul3A_479 {strides = array<i32>} : memref<128x32xf32, #tpu.memory_space<vmem>>, vector<16xf32>,
      %gather3A_483 = arith.constant 0 : i32
      %gather3A_484 = tpu.memref_slice %arg4[%scan3A_458, %gather3A_483] : memref<128x128xf32, #tpu.memory_space<vmem>> -> memref<1x128xf32, #tpu.memory_space<vmem>>
      %gather3A_485 = tpu.memref_squeeze %gather3A_484 : memref<1x128xf32, #tpu.memory_space<vmem>> -> memref<128xf32, #tpu.memory_space<vmem>>
      %gather3A_486 = tpu.vector_load_idx %gather3A_485[%add3A_93] : memref<128xf32, #tpu.memory_space<vmem>>[vector<16xi32>], vector<16xf32>,
      %gather3A_487 = arith.constant 0 : i32
      %gather3A_488 = tpu.memref_slice %arg4[%scan3A_458, %gather3A_487] : memref<128x128xf32, #tpu.memory_space<vmem>> -> memref<1x128xf32, #tpu.memory_space<vmem>>
      %gather3A_489 = tpu.memref_squeeze %gather3A_488 : memref<1x128xf32, #tpu.memory_space<vmem>> -> memref<128xf32, #tpu.memory_space<vmem>>
      %gather3A_490 = tpu.vector_load_idx %gather3A_489[%add3A_99] : memref<128xf32, #tpu.memory_space<vmem>>[vector<16xi32>], vector<16xf32>,
      %add3A_491 = arith.addf %gather3A_486, %gather3A_490 : vector<16xf32>
      %gather3A_492 = arith.constant 0 : i32
      %gather3A_493 = tpu.memref_slice %arg4[%scan3A_458, %gather3A_492] : memref<128x128xf32, #tpu.memory_space<vmem>> -> memref<1x128xf32, #tpu.memory_space<vmem>>
      %gather3A_494 = tpu.memref_squeeze %gather3A_493 : memref<1x128xf32, #tpu.memory_space<vmem>> -> memref<128xf32, #tpu.memory_space<vmem>>
      %gather3A_495 = tpu.vector_load_idx %gather3A_494[%add3A_105] : memref<128xf32, #tpu.memory_space<vmem>>[vector<16xi32>], vector<16xf32>,
      %add3A_496 = arith.addf %add3A_491, %gather3A_495 : vector<16xf32>
      %gather3A_497 = arith.constant 0 : i32
      %gather3A_498 = tpu.memref_slice %arg4[%scan3A_458, %gather3A_497] : memref<128x128xf32, #tpu.memory_space<vmem>> -> memref<1x128xf32, #tpu.memory_space<vmem>>
      %gather3A_499 = tpu.memref_squeeze %gather3A_498 : memref<1x128xf32, #tpu.memory_space<vmem>> -> memref<128xf32, #tpu.memory_space<vmem>>
      %gather3A_500 = tpu.vector_load_idx %gather3A_499[%add3A_111] : memref<128xf32, #tpu.memory_space<vmem>>[vector<16xi32>], vector<16xf32>,
      %add3A_501 = arith.addf %add3A_496, %gather3A_500 : vector<16xf32>
      %mul3A_502 = vector.broadcast %scan3A_198 : f32 to vector<16xf32>
      %mul3A_503 = arith.mulf %add3A_501, %mul3A_502 : vector<16xf32>
      %swap3A_504 = arith.index_cast %scan3A_458 : i32 to index
      %swap3A_505 = arith.constant 16 : index
      %swap3A_506 = tpu.vector_load %arg5[%swap3A_504, %swap3A_505] {strides = array<i32>} : memref<128x32xf32, #tpu.memory_space<vmem>>, vector<16xf32>,
      tpu.vector_store %arg5[%swap3A_504, %swap3A_505], %mul3A_503 {strides = array<i32>} : memref<128x32xf32, #tpu.memory_space<vmem>>, vector<16xf32>,
    }
    %scan3A_203 = arith.constant 32 : i32
    %mul3A_204 = arith.constant 128 : i32
    %mul3A_205 = arith.muli %add3A, %mul3A_204 : i32
    %add3A_206 = arith.constant 64 : i32
    %add3A_207 = arith.addi %mul3A_205, %add3A_206 : i32
    %dma_start3A_208 = arith.constant 2 : i32
    %dma_start3A_209 = arith.constant 64 : i32
    %dma_start3A_210 = arith.constant 0 : i32
    %dma_start3A_211 = tpu.memref_slice %arg5[%dma_start3A_209, %dma_start3A_210] : memref<128x32xf32, #tpu.memory_space<vmem>> -> memref<32x32xf32, #tpu.memory_space<vmem>>
    %dma_start3A_212 = arith.constant 0 : i32
    %dma_start3A_213 = tpu.memref_slice %arg3[%add3A_207, %dma_start3A_212] : memref<4096x32xf32, #tpu.memory_space<hbm>> -> memref<32x32xf32, #tpu.memory_space<hbm>>
    %dma_start3A_214 = tpu.memref_slice %arg7[%dma_start3A_208] : memref<4x!tpu.dma_semaphore, #tpu.memory_space<semaphore_mem>> -> memref<1x!tpu.dma_semaphore, #tpu.memory_space<semaphore_mem>>
    %dma_start3A_215 = tpu.memref_squeeze %dma_start3A_214 : memref<1x!tpu.dma_semaphore, #tpu.memory_space<semaphore_mem>> -> memref<!tpu.dma_semaphore, #tpu.memory_space<semaphore_mem>>
    %dma_start3A_216 = arith.constant 0 : i32
    %dma_start3A_217 = tpu.memref_slice %arg3[%add3A_207, %dma_start3A_216] : memref<4096x32xf32, #tpu.memory_space<hbm>> -> memref<32x32xf32, #tpu.memory_space<hbm>>
    %dma_start3A_218 = arith.constant 64 : i32
    %dma_start3A_219 = arith.constant 0 : i32
    %dma_start3A_220 = tpu.memref_slice %arg5[%dma_start3A_218, %dma_start3A_219] : memref<128x32xf32, #tpu.memory_space<vmem>> -> memref<32x32xf32, #tpu.memory_space<vmem>>
    tpu.enqueue_dma source(%dma_start3A_220 : memref<32x32xf32, #tpu.memory_space<vmem>>) target(%dma_start3A_217 : memref<32x32xf32, #tpu.memory_space<hbm>>) target_semaphore(%dma_start3A_215 : memref<!tpu.dma_semaphore, #tpu.memory_space<semaphore_mem>>)
    %dma_wait3A_221 = arith.constant 3 : i32
    %dma_wait3A_222 = arith.constant 96 : i32
    %dma_wait3A_223 = arith.constant 0 : i32
    %dma_wait3A_224 = tpu.memref_slice %arg4[%dma_wait3A_222, %dma_wait3A_223] : memref<128x128xf32, #tpu.memory_space<vmem>> -> memref<32x128xf32, #tpu.memory_space<vmem>>
    %dma_wait3A_225 = arith.constant 0 : i32
    %dma_wait3A_226 = tpu.memref_slice %arg2[%add3A_50, %dma_wait3A_225] : memref<16384x2048xf32, #tpu.memory_space<hbm>> -> memref<32x128xf32, #tpu.memory_space<hbm>>
    %dma_wait3A_227 = tpu.memref_slice %arg6[%dma_wait3A_221] : memref<4x!tpu.dma_semaphore, #tpu.memory_space<semaphore_mem>> -> memref<1x!tpu.dma_semaphore, #tpu.memory_space<semaphore_mem>>
    %dma_wait3A_228 = tpu.memref_squeeze %dma_wait3A_227 : memref<1x!tpu.dma_semaphore, #tpu.memory_space<semaphore_mem>> -> memref<!tpu.dma_semaphore, #tpu.memory_space<semaphore_mem>>
    %dma_wait3A_229 = arith.constant 96 : i32
    %dma_wait3A_230 = arith.constant 0 : i32
    %dma_wait3A_231 = tpu.memref_slice %arg4[%dma_wait3A_229, %dma_wait3A_230] : memref<128x128xf32, #tpu.memory_space<vmem>> -> memref<32x128xf32, #tpu.memory_space<vmem>>
    %dma_wait3A_232 = arith.constant 0 : i32
    %dma_wait3A_233 = tpu.memref_slice %arg2[%add3A_50, %dma_wait3A_232] : memref<16384x2048xf32, #tpu.memory_space<hbm>> -> memref<32x128xf32, #tpu.memory_space<hbm>>
    tpu.wait_dma2 semaphore(%dma_wait3A_228 : memref<!tpu.dma_semaphore, #tpu.memory_space<semaphore_mem>>) src(%dma_wait3A_233 : memref<32x128xf32, #tpu.memory_space<hbm>>) dst(%dma_wait3A_231 : memref<32x128xf32, #tpu.memory_space<vmem>>)
    %scan3A_234 = arith.constant 0 : i32
    %scan3A_235 = arith.constant 2.500000e-01 : f32
    %scan3A_236 = arith.constant 96 : i32
    %scan3A_237 = arith.constant 32 : i32
    %scan3A_238 = arith.addi %scan3A_236, %scan3A_237 : i32
    %scan3A_239 = arith.constant 4 : i32
    scf.for %scan3A_310 = %scan3A_236 to %scan3A_238 step %scan3A_239  : i32 {
      %gather3A = arith.constant 0 : i32
      %gather3A_311 = tpu.memref_slice %arg4[%scan3A_310, %gather3A] : memref<128x128xf32, #tpu.memory_space<vmem>> -> memref<1x128xf32, #tpu.memory_space<vmem>>
      %gather3A_312 = tpu.memref_squeeze %gather3A_311 : memref<1x128xf32, #tpu.memory_space<vmem>> -> memref<128xf32, #tpu.memory_space<vmem>>
      %gather3A_313 = tpu.vector_load_idx %gather3A_312[%add3A_69] : memref<128xf32, #tpu.memory_space<vmem>>[vector<16xi32>], vector<16xf32>,
      %gather3A_314 = arith.constant 0 : i32
      %gather3A_315 = tpu.memref_slice %arg4[%scan3A_310, %gather3A_314] : memref<128x128xf32, #tpu.memory_space<vmem>> -> memref<1x128xf32, #tpu.memory_space<vmem>>
      %gather3A_316 = tpu.memref_squeeze %gather3A_315 : memref<1x128xf32, #tpu.memory_space<vmem>> -> memref<128xf32, #tpu.memory_space<vmem>>
      %gather3A_317 = tpu.vector_load_idx %gather3A_316[%add3A_75] : memref<128xf32, #tpu.memory_space<vmem>>[vector<16xi32>], vector<16xf32>,
      %add3A_318 = arith.addf %gather3A_313, %gather3A_317 : vector<16xf32>
      %gather3A_319 = arith.constant 0 : i32
      %gather3A_320 = tpu.memref_slice %arg4[%scan3A_310, %gather3A_319] : memref<128x128xf32, #tpu.memory_space<vmem>> -> memref<1x128xf32, #tpu.memory_space<vmem>>
      %gather3A_321 = tpu.memref_squeeze %gather3A_320 : memref<1x128xf32, #tpu.memory_space<vmem>> -> memref<128xf32, #tpu.memory_space<vmem>>
      %gather3A_322 = tpu.vector_load_idx %gather3A_321[%add3A_81] : memref<128xf32, #tpu.memory_space<vmem>>[vector<16xi32>], vector<16xf32>,
      %add3A_323 = arith.addf %add3A_318, %gather3A_322 : vector<16xf32>
      %gather3A_324 = arith.constant 0 : i32
      %gather3A_325 = tpu.memref_slice %arg4[%scan3A_310, %gather3A_324] : memref<128x128xf32, #tpu.memory_space<vmem>> -> memref<1x128xf32, #tpu.memory_space<vmem>>
      %gather3A_326 = tpu.memref_squeeze %gather3A_325 : memref<1x128xf32, #tpu.memory_space<vmem>> -> memref<128xf32, #tpu.memory_space<vmem>>
      %gather3A_327 = tpu.vector_load_idx %gather3A_326[%add3A_87] : memref<128xf32, #tpu.memory_space<vmem>>[vector<16xi32>], vector<16xf32>,
      %add3A_328 = arith.addf %add3A_323, %gather3A_327 : vector<16xf32>
      %mul3A_329 = vector.broadcast %scan3A_235 : f32 to vector<16xf32>
      %mul3A_330 = arith.mulf %add3A_328, %mul3A_329 : vector<16xf32>
      %swap3A = arith.index_cast %scan3A_310 : i32 to index
      %swap3A_331 = arith.constant 0 : index
      %swap3A_332 = tpu.vector_load %arg5[%swap3A, %swap3A_331] {strides = array<i32>} : memref<128x32xf32, #tpu.memory_space<vmem>>, vector<16xf32>,
      tpu.vector_store %arg5[%swap3A, %swap3A_331], %mul3A_330 {strides = array<i32>} : memref<128x32xf32, #tpu.memory_space<vmem>>, vector<16xf32>,
      %gather3A_333 = arith.constant 0 : i32
      %gather3A_334 = tpu.memref_slice %arg4[%scan3A_310, %gather3A_333] : memref<128x128xf32, #tpu.memory_space<vmem>> -> memref<1x128xf32, #tpu.memory_space<vmem>>
      %gather3A_335 = tpu.memref_squeeze %gather3A_334 : memref<1x128xf32, #tpu.memory_space<vmem>> -> memref<128xf32, #tpu.memory_space<vmem>>
      %gather3A_336 = tpu.vector_load_idx %gather3A_335[%add3A_93] : memref<128xf32, #tpu.memory_space<vmem>>[vector<16xi32>], vector<16xf32>,
      %gather3A_337 = arith.constant 0 : i32
      %gather3A_338 = tpu.memref_slice %arg4[%scan3A_310, %gather3A_337] : memref<128x128xf32, #tpu.memory_space<vmem>> -> memref<1x128xf32, #tpu.memory_space<vmem>>
      %gather3A_339 = tpu.memref_squeeze %gather3A_338 : memref<1x128xf32, #tpu.memory_space<vmem>> -> memref<128xf32, #tpu.memory_space<vmem>>
      %gather3A_340 = tpu.vector_load_idx %gather3A_339[%add3A_99] : memref<128xf32, #tpu.memory_space<vmem>>[vector<16xi32>], vector<16xf32>,
      %add3A_341 = arith.addf %gather3A_336, %gather3A_340 : vector<16xf32>
      %gather3A_342 = arith.constant 0 : i32
      %gather3A_343 = tpu.memref_slice %arg4[%scan3A_310, %gather3A_342] : memref<128x128xf32, #tpu.memory_space<vmem>> -> memref<1x128xf32, #tpu.memory_space<vmem>>
      %gather3A_344 = tpu.memref_squeeze %gather3A_343 : memref<1x128xf32, #tpu.memory_space<vmem>> -> memref<128xf32, #tpu.memory_space<vmem>>
      %gather3A_345 = tpu.vector_load_idx %gather3A_344[%add3A_105] : memref<128xf32, #tpu.memory_space<vmem>>[vector<16xi32>], vector<16xf32>,
      %add3A_346 = arith.addf %add3A_341, %gather3A_345 : vector<16xf32>
      %gather3A_347 = arith.constant 0 : i32
      %gather3A_348 = tpu.memref_slice %arg4[%scan3A_310, %gather3A_347] : memref<128x128xf32, #tpu.memory_space<vmem>> -> memref<1x128xf32, #tpu.memory_space<vmem>>
      %gather3A_349 = tpu.memref_squeeze %gather3A_348 : memref<1x128xf32, #tpu.memory_space<vmem>> -> memref<128xf32, #tpu.memory_space<vmem>>
      %gather3A_350 = tpu.vector_load_idx %gather3A_349[%add3A_111] : memref<128xf32, #tpu.memory_space<vmem>>[vector<16xi32>], vector<16xf32>,
      %add3A_351 = arith.addf %add3A_346, %gather3A_350 : vector<16xf32>
      %mul3A_352 = vector.broadcast %scan3A_235 : f32 to vector<16xf32>
      %mul3A_353 = arith.mulf %add3A_351, %mul3A_352 : vector<16xf32>
      %swap3A_354 = arith.index_cast %scan3A_310 : i32 to index
      %swap3A_355 = arith.constant 16 : index
      %swap3A_356 = tpu.vector_load %arg5[%swap3A_354, %swap3A_355] {strides = array<i32>} : memref<128x32xf32, #tpu.memory_space<vmem>>, vector<16xf32>,
      tpu.vector_store %arg5[%swap3A_354, %swap3A_355], %mul3A_353 {strides = array<i32>} : memref<128x32xf32, #tpu.memory_space<vmem>>, vector<16xf32>,
      %scan3A_357 = arith.constant 1 : i32
      %scan3A_358 = arith.addi %scan3A_310, %scan3A_357 : i32
      %gather3A_359 = arith.constant 0 : i32
      %gather3A_360 = tpu.memref_slice %arg4[%scan3A_358, %gather3A_359] : memref<128x128xf32, #tpu.memory_space<vmem>> -> memref<1x128xf32, #tpu.memory_space<vmem>>
      %gather3A_361 = tpu.memref_squeeze %gather3A_360 : memref<1x128xf32, #tpu.memory_space<vmem>> -> memref<128xf32, #tpu.memory_space<vmem>>
      %gather3A_362 = tpu.vector_load_idx %gather3A_361[%add3A_69] : memref<128xf32, #tpu.memory_space<vmem>>[vector<16xi32>], vector<16xf32>,
      %gather3A_363 = arith.constant 0 : i32
      %gather3A_364 = tpu.memref_slice %arg4[%scan3A_358, %gather3A_363] : memref<128x128xf32, #tpu.memory_space<vmem>> -> memref<1x128xf32, #tpu.memory_space<vmem>>
      %gather3A_365 = tpu.memref_squeeze %gather3A_364 : memref<1x128xf32, #tpu.memory_space<vmem>> -> memref<128xf32, #tpu.memory_space<vmem>>
      %gather3A_366 = tpu.vector_load_idx %gather3A_365[%add3A_75] : memref<128xf32, #tpu.memory_space<vmem>>[vector<16xi32>], vector<16xf32>,
      %add3A_367 = arith.addf %gather3A_362, %gather3A_366 : vector<16xf32>
      %gather3A_368 = arith.constant 0 : i32
      %gather3A_369 = tpu.memref_slice %arg4[%scan3A_358, %gather3A_368] : memref<128x128xf32, #tpu.memory_space<vmem>> -> memref<1x128xf32, #tpu.memory_space<vmem>>
      %gather3A_370 = tpu.memref_squeeze %gather3A_369 : memref<1x128xf32, #tpu.memory_space<vmem>> -> memref<128xf32, #tpu.memory_space<vmem>>
      %gather3A_371 = tpu.vector_load_idx %gather3A_370[%add3A_81] : memref<128xf32, #tpu.memory_space<vmem>>[vector<16xi32>], vector<16xf32>,
      %add3A_372 = arith.addf %add3A_367, %gather3A_371 : vector<16xf32>
      %gather3A_373 = arith.constant 0 : i32
      %gather3A_374 = tpu.memref_slice %arg4[%scan3A_358, %gather3A_373] : memref<128x128xf32, #tpu.memory_space<vmem>> -> memref<1x128xf32, #tpu.memory_space<vmem>>
      %gather3A_375 = tpu.memref_squeeze %gather3A_374 : memref<1x128xf32, #tpu.memory_space<vmem>> -> memref<128xf32, #tpu.memory_space<vmem>>
      %gather3A_376 = tpu.vector_load_idx %gather3A_375[%add3A_87] : memref<128xf32, #tpu.memory_space<vmem>>[vector<16xi32>], vector<16xf32>,
      %add3A_377 = arith.addf %add3A_372, %gather3A_376 : vector<16xf32>
      %mul3A_378 = vector.broadcast %scan3A_235 : f32 to vector<16xf32>
      %mul3A_379 = arith.mulf %add3A_377, %mul3A_378 : vector<16xf32>
      %swap3A_380 = arith.index_cast %scan3A_358 : i32 to index
      %swap3A_381 = arith.constant 0 : index
      %swap3A_382 = tpu.vector_load %arg5[%swap3A_380, %swap3A_381] {strides = array<i32>} : memref<128x32xf32, #tpu.memory_space<vmem>>, vector<16xf32>,
      tpu.vector_store %arg5[%swap3A_380, %swap3A_381], %mul3A_379 {strides = array<i32>} : memref<128x32xf32, #tpu.memory_space<vmem>>, vector<16xf32>,
      %gather3A_383 = arith.constant 0 : i32
      %gather3A_384 = tpu.memref_slice %arg4[%scan3A_358, %gather3A_383] : memref<128x128xf32, #tpu.memory_space<vmem>> -> memref<1x128xf32, #tpu.memory_space<vmem>>
      %gather3A_385 = tpu.memref_squeeze %gather3A_384 : memref<1x128xf32, #tpu.memory_space<vmem>> -> memref<128xf32, #tpu.memory_space<vmem>>
      %gather3A_386 = tpu.vector_load_idx %gather3A_385[%add3A_93] : memref<128xf32, #tpu.memory_space<vmem>>[vector<16xi32>], vector<16xf32>,
      %gather3A_387 = arith.constant 0 : i32
      %gather3A_388 = tpu.memref_slice %arg4[%scan3A_358, %gather3A_387] : memref<128x128xf32, #tpu.memory_space<vmem>> -> memref<1x128xf32, #tpu.memory_space<vmem>>
      %gather3A_389 = tpu.memref_squeeze %gather3A_388 : memref<1x128xf32, #tpu.memory_space<vmem>> -> memref<128xf32, #tpu.memory_space<vmem>>
      %gather3A_390 = tpu.vector_load_idx %gather3A_389[%add3A_99] : memref<128xf32, #tpu.memory_space<vmem>>[vector<16xi32>], vector<16xf32>,
      %add3A_391 = arith.addf %gather3A_386, %gather3A_390 : vector<16xf32>
      %gather3A_392 = arith.constant 0 : i32
      %gather3A_393 = tpu.memref_slice %arg4[%scan3A_358, %gather3A_392] : memref<128x128xf32, #tpu.memory_space<vmem>> -> memref<1x128xf32, #tpu.memory_space<vmem>>
      %gather3A_394 = tpu.memref_squeeze %gather3A_393 : memref<1x128xf32, #tpu.memory_space<vmem>> -> memref<128xf32, #tpu.memory_space<vmem>>
      %gather3A_395 = tpu.vector_load_idx %gather3A_394[%add3A_105] : memref<128xf32, #tpu.memory_space<vmem>>[vector<16xi32>], vector<16xf32>,
      %add3A_396 = arith.addf %add3A_391, %gather3A_395 : vector<16xf32>
      %gather3A_397 = arith.constant 0 : i32
      %gather3A_398 = tpu.memref_slice %arg4[%scan3A_358, %gather3A_397] : memref<128x128xf32, #tpu.memory_space<vmem>> -> memref<1x128xf32, #tpu.memory_space<vmem>>
      %gather3A_399 = tpu.memref_squeeze %gather3A_398 : memref<1x128xf32, #tpu.memory_space<vmem>> -> memref<128xf32, #tpu.memory_space<vmem>>
      %gather3A_400 = tpu.vector_load_idx %gather3A_399[%add3A_111] : memref<128xf32, #tpu.memory_space<vmem>>[vector<16xi32>], vector<16xf32>,
      %add3A_401 = arith.addf %add3A_396, %gather3A_400 : vector<16xf32>
      %mul3A_402 = vector.broadcast %scan3A_235 : f32 to vector<16xf32>
      %mul3A_403 = arith.mulf %add3A_401, %mul3A_402 : vector<16xf32>
      %swap3A_404 = arith.index_cast %scan3A_358 : i32 to index
      %swap3A_405 = arith.constant 16 : index
      %swap3A_406 = tpu.vector_load %arg5[%swap3A_404, %swap3A_405] {strides = array<i32>} : memref<128x32xf32, #tpu.memory_space<vmem>>, vector<16xf32>,
      tpu.vector_store %arg5[%swap3A_404, %swap3A_405], %mul3A_403 {strides = array<i32>} : memref<128x32xf32, #tpu.memory_space<vmem>>, vector<16xf32>,
      %scan3A_407 = arith.constant 2 : i32
      %scan3A_408 = arith.addi %scan3A_310, %scan3A_407 : i32
      %gather3A_409 = arith.constant 0 : i32
      %gather3A_410 = tpu.memref_slice %arg4[%scan3A_408, %gather3A_409] : memref<128x128xf32, #tpu.memory_space<vmem>> -> memref<1x128xf32, #tpu.memory_space<vmem>>
      %gather3A_411 = tpu.memref_squeeze %gather3A_410 : memref<1x128xf32, #tpu.memory_space<vmem>> -> memref<128xf32, #tpu.memory_space<vmem>>
      %gather3A_412 = tpu.vector_load_idx %gather3A_411[%add3A_69] : memref<128xf32, #tpu.memory_space<vmem>>[vector<16xi32>], vector<16xf32>,
      %gather3A_413 = arith.constant 0 : i32
      %gather3A_414 = tpu.memref_slice %arg4[%scan3A_408, %gather3A_413] : memref<128x128xf32, #tpu.memory_space<vmem>> -> memref<1x128xf32, #tpu.memory_space<vmem>>
      %gather3A_415 = tpu.memref_squeeze %gather3A_414 : memref<1x128xf32, #tpu.memory_space<vmem>> -> memref<128xf32, #tpu.memory_space<vmem>>
      %gather3A_416 = tpu.vector_load_idx %gather3A_415[%add3A_75] : memref<128xf32, #tpu.memory_space<vmem>>[vector<16xi32>], vector<16xf32>,
      %add3A_417 = arith.addf %gather3A_412, %gather3A_416 : vector<16xf32>
      %gather3A_418 = arith.constant 0 : i32
      %gather3A_419 = tpu.memref_slice %arg4[%scan3A_408, %gather3A_418] : memref<128x128xf32, #tpu.memory_space<vmem>> -> memref<1x128xf32, #tpu.memory_space<vmem>>
      %gather3A_420 = tpu.memref_squeeze %gather3A_419 : memref<1x128xf32, #tpu.memory_space<vmem>> -> memref<128xf32, #tpu.memory_space<vmem>>
      %gather3A_421 = tpu.vector_load_idx %gather3A_420[%add3A_81] : memref<128xf32, #tpu.memory_space<vmem>>[vector<16xi32>], vector<16xf32>,
      %add3A_422 = arith.addf %add3A_417, %gather3A_421 : vector<16xf32>
      %gather3A_423 = arith.constant 0 : i32
      %gather3A_424 = tpu.memref_slice %arg4[%scan3A_408, %gather3A_423] : memref<128x128xf32, #tpu.memory_space<vmem>> -> memref<1x128xf32, #tpu.memory_space<vmem>>
      %gather3A_425 = tpu.memref_squeeze %gather3A_424 : memref<1x128xf32, #tpu.memory_space<vmem>> -> memref<128xf32, #tpu.memory_space<vmem>>
      %gather3A_426 = tpu.vector_load_idx %gather3A_425[%add3A_87] : memref<128xf32, #tpu.memory_space<vmem>>[vector<16xi32>], vector<16xf32>,
      %add3A_427 = arith.addf %add3A_422, %gather3A_426 : vector<16xf32>
      %mul3A_428 = vector.broadcast %scan3A_235 : f32 to vector<16xf32>
      %mul3A_429 = arith.mulf %add3A_427, %mul3A_428 : vector<16xf32>
      %swap3A_430 = arith.index_cast %scan3A_408 : i32 to index
      %swap3A_431 = arith.constant 0 : index
      %swap3A_432 = tpu.vector_load %arg5[%swap3A_430, %swap3A_431] {strides = array<i32>} : memref<128x32xf32, #tpu.memory_space<vmem>>, vector<16xf32>,
      tpu.vector_store %arg5[%swap3A_430, %swap3A_431], %mul3A_429 {strides = array<i32>} : memref<128x32xf32, #tpu.memory_space<vmem>>, vector<16xf32>,
      %gather3A_433 = arith.constant 0 : i32
      %gather3A_434 = tpu.memref_slice %arg4[%scan3A_408, %gather3A_433] : memref<128x128xf32, #tpu.memory_space<vmem>> -> memref<1x128xf32, #tpu.memory_space<vmem>>
      %gather3A_435 = tpu.memref_squeeze %gather3A_434 : memref<1x128xf32, #tpu.memory_space<vmem>> -> memref<128xf32, #tpu.memory_space<vmem>>
      %gather3A_436 = tpu.vector_load_idx %gather3A_435[%add3A_93] : memref<128xf32, #tpu.memory_space<vmem>>[vector<16xi32>], vector<16xf32>,
      %gather3A_437 = arith.constant 0 : i32
      %gather3A_438 = tpu.memref_slice %arg4[%scan3A_408, %gather3A_437] : memref<128x128xf32, #tpu.memory_space<vmem>> -> memref<1x128xf32, #tpu.memory_space<vmem>>
      %gather3A_439 = tpu.memref_squeeze %gather3A_438 : memref<1x128xf32, #tpu.memory_space<vmem>> -> memref<128xf32, #tpu.memory_space<vmem>>
      %gather3A_440 = tpu.vector_load_idx %gather3A_439[%add3A_99] : memref<128xf32, #tpu.memory_space<vmem>>[vector<16xi32>], vector<16xf32>,
      %add3A_441 = arith.addf %gather3A_436, %gather3A_440 : vector<16xf32>
      %gather3A_442 = arith.constant 0 : i32
      %gather3A_443 = tpu.memref_slice %arg4[%scan3A_408, %gather3A_442] : memref<128x128xf32, #tpu.memory_space<vmem>> -> memref<1x128xf32, #tpu.memory_space<vmem>>
      %gather3A_444 = tpu.memref_squeeze %gather3A_443 : memref<1x128xf32, #tpu.memory_space<vmem>> -> memref<128xf32, #tpu.memory_space<vmem>>
      %gather3A_445 = tpu.vector_load_idx %gather3A_444[%add3A_105] : memref<128xf32, #tpu.memory_space<vmem>>[vector<16xi32>], vector<16xf32>,
      %add3A_446 = arith.addf %add3A_441, %gather3A_445 : vector<16xf32>
      %gather3A_447 = arith.constant 0 : i32
      %gather3A_448 = tpu.memref_slice %arg4[%scan3A_408, %gather3A_447] : memref<128x128xf32, #tpu.memory_space<vmem>> -> memref<1x128xf32, #tpu.memory_space<vmem>>
      %gather3A_449 = tpu.memref_squeeze %gather3A_448 : memref<1x128xf32, #tpu.memory_space<vmem>> -> memref<128xf32, #tpu.memory_space<vmem>>
      %gather3A_450 = tpu.vector_load_idx %gather3A_449[%add3A_111] : memref<128xf32, #tpu.memory_space<vmem>>[vector<16xi32>], vector<16xf32>,
      %add3A_451 = arith.addf %add3A_446, %gather3A_450 : vector<16xf32>
      %mul3A_452 = vector.broadcast %scan3A_235 : f32 to vector<16xf32>
      %mul3A_453 = arith.mulf %add3A_451, %mul3A_452 : vector<16xf32>
      %swap3A_454 = arith.index_cast %scan3A_408 : i32 to index
      %swap3A_455 = arith.constant 16 : index
      %swap3A_456 = tpu.vector_load %arg5[%swap3A_454, %swap3A_455] {strides = array<i32>} : memref<128x32xf32, #tpu.memory_space<vmem>>, vector<16xf32>,
      tpu.vector_store %arg5[%swap3A_454, %swap3A_455], %mul3A_453 {strides = array<i32>} : memref<128x32xf32, #tpu.memory_space<vmem>>, vector<16xf32>,
      %scan3A_457 = arith.constant 3 : i32
      %scan3A_458 = arith.addi %scan3A_310, %scan3A_457 : i32
      %gather3A_459 = arith.constant 0 : i32
      %gather3A_460 = tpu.memref_slice %arg4[%scan3A_458, %gather3A_459] : memref<128x128xf32, #tpu.memory_space<vmem>> -> memref<1x128xf32, #tpu.memory_space<vmem>>
      %gather3A_461 = tpu.memref_squeeze %gather3A_460 : memref<1x128xf32, #tpu.memory_space<vmem>> -> memref<128xf32, #tpu.memory_space<vmem>>
      %gather3A_462 = tpu.vector_load_idx %gather3A_461[%add3A_69] : memref<128xf32, #tpu.memory_space<vmem>>[vector<16xi32>], vector<16xf32>,
      %gather3A_463 = arith.constant 0 : i32
      %gather3A_464 = tpu.memref_slice %arg4[%scan3A_458, %gather3A_463] : memref<128x128xf32, #tpu.memory_space<vmem>> -> memref<1x128xf32, #tpu.memory_space<vmem>>
      %gather3A_465 = tpu.memref_squeeze %gather3A_464 : memref<1x128xf32, #tpu.memory_space<vmem>> -> memref<128xf32, #tpu.memory_space<vmem>>
      %gather3A_466 = tpu.vector_load_idx %gather3A_465[%add3A_75] : memref<128xf32, #tpu.memory_space<vmem>>[vector<16xi32>], vector<16xf32>,
      %add3A_467 = arith.addf %gather3A_462, %gather3A_466 : vector<16xf32>
      %gather3A_468 = arith.constant 0 : i32
      %gather3A_469 = tpu.memref_slice %arg4[%scan3A_458, %gather3A_468] : memref<128x128xf32, #tpu.memory_space<vmem>> -> memref<1x128xf32, #tpu.memory_space<vmem>>
      %gather3A_470 = tpu.memref_squeeze %gather3A_469 : memref<1x128xf32, #tpu.memory_space<vmem>> -> memref<128xf32, #tpu.memory_space<vmem>>
      %gather3A_471 = tpu.vector_load_idx %gather3A_470[%add3A_81] : memref<128xf32, #tpu.memory_space<vmem>>[vector<16xi32>], vector<16xf32>,
      %add3A_472 = arith.addf %add3A_467, %gather3A_471 : vector<16xf32>
      %gather3A_473 = arith.constant 0 : i32
      %gather3A_474 = tpu.memref_slice %arg4[%scan3A_458, %gather3A_473] : memref<128x128xf32, #tpu.memory_space<vmem>> -> memref<1x128xf32, #tpu.memory_space<vmem>>
      %gather3A_475 = tpu.memref_squeeze %gather3A_474 : memref<1x128xf32, #tpu.memory_space<vmem>> -> memref<128xf32, #tpu.memory_space<vmem>>
      %gather3A_476 = tpu.vector_load_idx %gather3A_475[%add3A_87] : memref<128xf32, #tpu.memory_space<vmem>>[vector<16xi32>], vector<16xf32>,
      %add3A_477 = arith.addf %add3A_472, %gather3A_476 : vector<16xf32>
      %mul3A_478 = vector.broadcast %scan3A_235 : f32 to vector<16xf32>
      %mul3A_479 = arith.mulf %add3A_477, %mul3A_478 : vector<16xf32>
      %swap3A_480 = arith.index_cast %scan3A_458 : i32 to index
      %swap3A_481 = arith.constant 0 : index
      %swap3A_482 = tpu.vector_load %arg5[%swap3A_480, %swap3A_481] {strides = array<i32>} : memref<128x32xf32, #tpu.memory_space<vmem>>, vector<16xf32>,
      tpu.vector_store %arg5[%swap3A_480, %swap3A_481], %mul3A_479 {strides = array<i32>} : memref<128x32xf32, #tpu.memory_space<vmem>>, vector<16xf32>,
      %gather3A_483 = arith.constant 0 : i32
      %gather3A_484 = tpu.memref_slice %arg4[%scan3A_458, %gather3A_483] : memref<128x128xf32, #tpu.memory_space<vmem>> -> memref<1x128xf32, #tpu.memory_space<vmem>>
      %gather3A_485 = tpu.memref_squeeze %gather3A_484 : memref<1x128xf32, #tpu.memory_space<vmem>> -> memref<128xf32, #tpu.memory_space<vmem>>
      %gather3A_486 = tpu.vector_load_idx %gather3A_485[%add3A_93] : memref<128xf32, #tpu.memory_space<vmem>>[vector<16xi32>], vector<16xf32>,
      %gather3A_487 = arith.constant 0 : i32
      %gather3A_488 = tpu.memref_slice %arg4[%scan3A_458, %gather3A_487] : memref<128x128xf32, #tpu.memory_space<vmem>> -> memref<1x128xf32, #tpu.memory_space<vmem>>
      %gather3A_489 = tpu.memref_squeeze %gather3A_488 : memref<1x128xf32, #tpu.memory_space<vmem>> -> memref<128xf32, #tpu.memory_space<vmem>>
      %gather3A_490 = tpu.vector_load_idx %gather3A_489[%add3A_99] : memref<128xf32, #tpu.memory_space<vmem>>[vector<16xi32>], vector<16xf32>,
      %add3A_491 = arith.addf %gather3A_486, %gather3A_490 : vector<16xf32>
      %gather3A_492 = arith.constant 0 : i32
      %gather3A_493 = tpu.memref_slice %arg4[%scan3A_458, %gather3A_492] : memref<128x128xf32, #tpu.memory_space<vmem>> -> memref<1x128xf32, #tpu.memory_space<vmem>>
      %gather3A_494 = tpu.memref_squeeze %gather3A_493 : memref<1x128xf32, #tpu.memory_space<vmem>> -> memref<128xf32, #tpu.memory_space<vmem>>
      %gather3A_495 = tpu.vector_load_idx %gather3A_494[%add3A_105] : memref<128xf32, #tpu.memory_space<vmem>>[vector<16xi32>], vector<16xf32>,
      %add3A_496 = arith.addf %add3A_491, %gather3A_495 : vector<16xf32>
      %gather3A_497 = arith.constant 0 : i32
      %gather3A_498 = tpu.memref_slice %arg4[%scan3A_458, %gather3A_497] : memref<128x128xf32, #tpu.memory_space<vmem>> -> memref<1x128xf32, #tpu.memory_space<vmem>>
      %gather3A_499 = tpu.memref_squeeze %gather3A_498 : memref<1x128xf32, #tpu.memory_space<vmem>> -> memref<128xf32, #tpu.memory_space<vmem>>
      %gather3A_500 = tpu.vector_load_idx %gather3A_499[%add3A_111] : memref<128xf32, #tpu.memory_space<vmem>>[vector<16xi32>], vector<16xf32>,
      %add3A_501 = arith.addf %add3A_496, %gather3A_500 : vector<16xf32>
      %mul3A_502 = vector.broadcast %scan3A_235 : f32 to vector<16xf32>
      %mul3A_503 = arith.mulf %add3A_501, %mul3A_502 : vector<16xf32>
      %swap3A_504 = arith.index_cast %scan3A_458 : i32 to index
      %swap3A_505 = arith.constant 16 : index
      %swap3A_506 = tpu.vector_load %arg5[%swap3A_504, %swap3A_505] {strides = array<i32>} : memref<128x32xf32, #tpu.memory_space<vmem>>, vector<16xf32>,
      tpu.vector_store %arg5[%swap3A_504, %swap3A_505], %mul3A_503 {strides = array<i32>} : memref<128x32xf32, #tpu.memory_space<vmem>>, vector<16xf32>,
    }
    %scan3A_240 = arith.constant 32 : i32
    %mul3A_241 = arith.constant 128 : i32
    %mul3A_242 = arith.muli %add3A, %mul3A_241 : i32
    %add3A_243 = arith.constant 96 : i32
    %add3A_244 = arith.addi %mul3A_242, %add3A_243 : i32
    %dma_start3A_245 = arith.constant 3 : i32
    %dma_start3A_246 = arith.constant 96 : i32
    %dma_start3A_247 = arith.constant 0 : i32
    %dma_start3A_248 = tpu.memref_slice %arg5[%dma_start3A_246, %dma_start3A_247] : memref<128x32xf32, #tpu.memory_space<vmem>> -> memref<32x32xf32, #tpu.memory_space<vmem>>
    %dma_start3A_249 = arith.constant 0 : i32
    %dma_start3A_250 = tpu.memref_slice %arg3[%add3A_244, %dma_start3A_249] : memref<4096x32xf32, #tpu.memory_space<hbm>> -> memref<32x32xf32, #tpu.memory_space<hbm>>
    %dma_start3A_251 = tpu.memref_slice %arg7[%dma_start3A_245] : memref<4x!tpu.dma_semaphore, #tpu.memory_space<semaphore_mem>> -> memref<1x!tpu.dma_semaphore, #tpu.memory_space<semaphore_mem>>
    %dma_start3A_252 = tpu.memref_squeeze %dma_start3A_251 : memref<1x!tpu.dma_semaphore, #tpu.memory_space<semaphore_mem>> -> memref<!tpu.dma_semaphore, #tpu.memory_space<semaphore_mem>>
    %dma_start3A_253 = arith.constant 0 : i32
    %dma_start3A_254 = tpu.memref_slice %arg3[%add3A_244, %dma_start3A_253] : memref<4096x32xf32, #tpu.memory_space<hbm>> -> memref<32x32xf32, #tpu.memory_space<hbm>>
    %dma_start3A_255 = arith.constant 96 : i32
    %dma_start3A_256 = arith.constant 0 : i32
    %dma_start3A_257 = tpu.memref_slice %arg5[%dma_start3A_255, %dma_start3A_256] : memref<128x32xf32, #tpu.memory_space<vmem>> -> memref<32x32xf32, #tpu.memory_space<vmem>>
    tpu.enqueue_dma source(%dma_start3A_257 : memref<32x32xf32, #tpu.memory_space<vmem>>) target(%dma_start3A_254 : memref<32x32xf32, #tpu.memory_space<hbm>>) target_semaphore(%dma_start3A_252 : memref<!tpu.dma_semaphore, #tpu.memory_space<semaphore_mem>>)
    %dma_wait3A_258 = arith.constant 0 : i32
    %dma_wait3A_259 = arith.constant 0 : i32
    %dma_wait3A_260 = arith.constant 0 : i32
    %dma_wait3A_261 = tpu.memref_slice %arg5[%dma_wait3A_259, %dma_wait3A_260] : memref<128x32xf32, #tpu.memory_space<vmem>> -> memref<32x32xf32, #tpu.memory_space<vmem>>
    %dma_wait3A_262 = arith.constant 0 : i32
    %dma_wait3A_263 = tpu.memref_slice %arg3[%add3A_133, %dma_wait3A_262] : memref<4096x32xf32, #tpu.memory_space<hbm>> -> memref<32x32xf32, #tpu.memory_space<hbm>>
    %dma_wait3A_264 = tpu.memref_slice %arg7[%dma_wait3A_258] : memref<4x!tpu.dma_semaphore, #tpu.memory_space<semaphore_mem>> -> memref<1x!tpu.dma_semaphore, #tpu.memory_space<semaphore_mem>>
    %dma_wait3A_265 = tpu.memref_squeeze %dma_wait3A_264 : memref<1x!tpu.dma_semaphore, #tpu.memory_space<semaphore_mem>> -> memref<!tpu.dma_semaphore, #tpu.memory_space<semaphore_mem>>
    %dma_wait3A_266 = arith.constant 0 : i32
    %dma_wait3A_267 = tpu.memref_slice %arg3[%add3A_133, %dma_wait3A_266] : memref<4096x32xf32, #tpu.memory_space<hbm>> -> memref<32x32xf32, #tpu.memory_space<hbm>>
    %dma_wait3A_268 = arith.constant 0 : i32
    %dma_wait3A_269 = arith.constant 0 : i32
    %dma_wait3A_270 = tpu.memref_slice %arg5[%dma_wait3A_268, %dma_wait3A_269] : memref<128x32xf32, #tpu.memory_space<vmem>> -> memref<32x32xf32, #tpu.memory_space<vmem>>
    tpu.wait_dma2 semaphore(%dma_wait3A_265 : memref<!tpu.dma_semaphore, #tpu.memory_space<semaphore_mem>>) src(%dma_wait3A_270 : memref<32x32xf32, #tpu.memory_space<vmem>>) dst(%dma_wait3A_267 : memref<32x32xf32, #tpu.memory_space<hbm>>)
    %dma_wait3A_271 = arith.constant 1 : i32
    %dma_wait3A_272 = arith.constant 32 : i32
    %dma_wait3A_273 = arith.constant 0 : i32
    %dma_wait3A_274 = tpu.memref_slice %arg5[%dma_wait3A_272, %dma_wait3A_273] : memref<128x32xf32, #tpu.memory_space<vmem>> -> memref<32x32xf32, #tpu.memory_space<vmem>>
    %dma_wait3A_275 = arith.constant 0 : i32
    %dma_wait3A_276 = tpu.memref_slice %arg3[%add3A_170, %dma_wait3A_275] : memref<4096x32xf32, #tpu.memory_space<hbm>> -> memref<32x32xf32, #tpu.memory_space<hbm>>
    %dma_wait3A_277 = tpu.memref_slice %arg7[%dma_wait3A_271] : memref<4x!tpu.dma_semaphore, #tpu.memory_space<semaphore_mem>> -> memref<1x!tpu.dma_semaphore, #tpu.memory_space<semaphore_mem>>
    %dma_wait3A_278 = tpu.memref_squeeze %dma_wait3A_277 : memref<1x!tpu.dma_semaphore, #tpu.memory_space<semaphore_mem>> -> memref<!tpu.dma_semaphore, #tpu.memory_space<semaphore_mem>>
    %dma_wait3A_279 = arith.constant 0 : i32
    %dma_wait3A_280 = tpu.memref_slice %arg3[%add3A_170, %dma_wait3A_279] : memref<4096x32xf32, #tpu.memory_space<hbm>> -> memref<32x32xf32, #tpu.memory_space<hbm>>
    %dma_wait3A_281 = arith.constant 32 : i32
    %dma_wait3A_282 = arith.constant 0 : i32
    %dma_wait3A_283 = tpu.memref_slice %arg5[%dma_wait3A_281, %dma_wait3A_282] : memref<128x32xf32, #tpu.memory_space<vmem>> -> memref<32x32xf32, #tpu.memory_space<vmem>>
    tpu.wait_dma2 semaphore(%dma_wait3A_278 : memref<!tpu.dma_semaphore, #tpu.memory_space<semaphore_mem>>) src(%dma_wait3A_283 : memref<32x32xf32, #tpu.memory_space<vmem>>) dst(%dma_wait3A_280 : memref<32x32xf32, #tpu.memory_space<hbm>>)
    %dma_wait3A_284 = arith.constant 2 : i32
    %dma_wait3A_285 = arith.constant 64 : i32
    %dma_wait3A_286 = arith.constant 0 : i32
    %dma_wait3A_287 = tpu.memref_slice %arg5[%dma_wait3A_285, %dma_wait3A_286] : memref<128x32xf32, #tpu.memory_space<vmem>> -> memref<32x32xf32, #tpu.memory_space<vmem>>
    %dma_wait3A_288 = arith.constant 0 : i32
    %dma_wait3A_289 = tpu.memref_slice %arg3[%add3A_207, %dma_wait3A_288] : memref<4096x32xf32, #tpu.memory_space<hbm>> -> memref<32x32xf32, #tpu.memory_space<hbm>>
    %dma_wait3A_290 = tpu.memref_slice %arg7[%dma_wait3A_284] : memref<4x!tpu.dma_semaphore, #tpu.memory_space<semaphore_mem>> -> memref<1x!tpu.dma_semaphore, #tpu.memory_space<semaphore_mem>>
    %dma_wait3A_291 = tpu.memref_squeeze %dma_wait3A_290 : memref<1x!tpu.dma_semaphore, #tpu.memory_space<semaphore_mem>> -> memref<!tpu.dma_semaphore, #tpu.memory_space<semaphore_mem>>
    %dma_wait3A_292 = arith.constant 0 : i32
    %dma_wait3A_293 = tpu.memref_slice %arg3[%add3A_207, %dma_wait3A_292] : memref<4096x32xf32, #tpu.memory_space<hbm>> -> memref<32x32xf32, #tpu.memory_space<hbm>>
    %dma_wait3A_294 = arith.constant 64 : i32
    %dma_wait3A_295 = arith.constant 0 : i32
    %dma_wait3A_296 = tpu.memref_slice %arg5[%dma_wait3A_294, %dma_wait3A_295] : memref<128x32xf32, #tpu.memory_space<vmem>> -> memref<32x32xf32, #tpu.memory_space<vmem>>
    tpu.wait_dma2 semaphore(%dma_wait3A_291 : memref<!tpu.dma_semaphore, #tpu.memory_space<semaphore_mem>>) src(%dma_wait3A_296 : memref<32x32xf32, #tpu.memory_space<vmem>>) dst(%dma_wait3A_293 : memref<32x32xf32, #tpu.memory_space<hbm>>)
    %dma_wait3A_297 = arith.constant 3 : i32
    %dma_wait3A_298 = arith.constant 96 : i32
    %dma_wait3A_299 = arith.constant 0 : i32
    %dma_wait3A_300 = tpu.memref_slice %arg5[%dma_wait3A_298, %dma_wait3A_299] : memref<128x32xf32, #tpu.memory_space<vmem>> -> memref<32x32xf32, #tpu.memory_space<vmem>>
    %dma_wait3A_301 = arith.constant 0 : i32
    %dma_wait3A_302 = tpu.memref_slice %arg3[%add3A_244, %dma_wait3A_301] : memref<4096x32xf32, #tpu.memory_space<hbm>> -> memref<32x32xf32, #tpu.memory_space<hbm>>
    %dma_wait3A_303 = tpu.memref_slice %arg7[%dma_wait3A_297] : memref<4x!tpu.dma_semaphore, #tpu.memory_space<semaphore_mem>> -> memref<1x!tpu.dma_semaphore, #tpu.memory_space<semaphore_mem>>
    %dma_wait3A_304 = tpu.memref_squeeze %dma_wait3A_303 : memref<1x!tpu.dma_semaphore, #tpu.memory_space<semaphore_mem>> -> memref<!tpu.dma_semaphore, #tpu.memory_space<semaphore_mem>>
    %dma_wait3A_305 = arith.constant 0 : i32
    %dma_wait3A_306 = tpu.memref_slice %arg3[%add3A_244, %dma_wait3A_305] : memref<4096x32xf32, #tpu.memory_space<hbm>> -> memref<32x32xf32, #tpu.memory_space<hbm>>
    %dma_wait3A_307 = arith.constant 96 : i32
    %dma_wait3A_308 = arith.constant 0 : i32
    %dma_wait3A_309 = tpu.memref_slice %arg5[%dma_wait3A_307, %dma_wait3A_308] : memref<128x32xf32, #tpu.memory_space<vmem>> -> memref<32x32xf32, #tpu.memory_space<vmem>>
    tpu.wait_dma2 semaphore(%dma_wait3A_304 : memref<!tpu.dma_semaphore, #tpu.memory_space<semaphore_mem>>) src(%dma_wait3A_309 : memref<32x32xf32, #tpu.memory_space<vmem>>) dst(%dma_wait3A_306 : memref<32x32xf32, #tpu.memory_space<hbm>>)
    return
  }
}

module attributes {stable_mosaic.version = 14 : i64} {
  func.func @_tc_body(%arg0: i32, %arg1: memref<512x128xf32, #tpu.memory_space<vmem>>, %arg2: memref<512x128xf32, #tpu.memory_space<vmem>>, %arg3: memref<512x128xf32, #tpu.memory_space<vmem>>, %arg4: memref<512x128xf32, #tpu.memory_space<vmem>>, %arg5: memref<512x128xf32, #tpu.memory_space<vmem>>, %arg6: memref<512x128xf32, #tpu.memory_space<vmem>>, %arg7: memref<512x128xf32, #tpu.memory_space<vmem>>, %arg8: memref<512x128xf32, #tpu.memory_space<vmem>>, %arg9: memref<32x4096xf32, #tpu.memory_space<vmem>>) attributes {dimension_semantics = [#tpu.dimension_semantics<arbitrary>], iteration_bounds = array<i64: 3>, scalar_prefetch = 0 : i64, scratch_operands = 0 : i64, tpu.core_type = #tpu.core_type<tc>, window_params = [{transform_indices = @transform_0, window_bounds = array<i64: 512, 128>}, {transform_indices = @transform_1, window_bounds = array<i64: 512, 128>}, {transform_indices = @transform_2, window_bounds = array<i64: 512, 128>}, {transform_indices = @transform_3, window_bounds = array<i64: 512, 128>}, {transform_indices = @transform_4, window_bounds = array<i64: 512, 128>}, {transform_indices = @transform_5, window_bounds = array<i64: 512, 128>}, {transform_indices = @transform_6, window_bounds = array<i64: 512, 128>}, {transform_indices = @transform_7, window_bounds = array<i64: 512, 128>}, {transform_indices = @transform_8, window_bounds = array<i64: 32, 4096>}]} {
    %iota3A = tpu.iota {dimensions = array<i32: 0>} : vector<128x32xi32>
    %iota3A_0 = tpu.iota {dimensions = array<i32: 1>} : vector<128x32xi32>
    %jit3A = arith.constant 4 : i32
    %div3A = vector.broadcast %jit3A : i32 to vector<128x32xi32>
    %div3A_1 = arith.divsi %iota3A, %div3A : vector<128x32xi32>
    %sign3A = arith.constant 0 : i32
    %sign3A_2 = vector.broadcast %sign3A : i32 to vector<128x32xi32>
    %sign3A_3 = arith.cmpi sgt, %iota3A, %sign3A_2 : vector<128x32xi32>
    %sign3A_4 = arith.extui %sign3A_3 : vector<128x32xi1> to vector<128x32xi32>
    %sign3A_5 = arith.constant 0 : i32
    %sign3A_6 = vector.broadcast %sign3A_5 : i32 to vector<128x32xi32>
    %sign3A_7 = arith.cmpi slt, %iota3A, %sign3A_6 : vector<128x32xi32>
    %sign3A_8 = arith.extui %sign3A_7 : vector<128x32xi1> to vector<128x32xi32>
    %sign3A_9 = arith.subi %sign3A_4, %sign3A_8 : vector<128x32xi32>
    %sign3A_10 = arith.constant 0 : i32
    %sign3A_11 = arith.cmpi sgt, %jit3A, %sign3A_10 : i32
    %sign3A_12 = arith.extui %sign3A_11 : i1 to i32
    %sign3A_13 = arith.constant 0 : i32
    %sign3A_14 = arith.cmpi slt, %jit3A, %sign3A_13 : i32
    %sign3A_15 = arith.extui %sign3A_14 : i1 to i32
    %sign3A_16 = arith.subi %sign3A_12, %sign3A_15 : i32
    %ne3A = vector.broadcast %sign3A_16 : i32 to vector<128x32xi32>
    %ne3A_17 = arith.cmpi ne, %sign3A_9, %ne3A : vector<128x32xi32>
    %rem3A = vector.broadcast %jit3A : i32 to vector<128x32xi32>
    %rem3A_18 = arith.remsi %iota3A, %rem3A : vector<128x32xi32>
    %ne3A_19 = arith.constant 0 : i32
    %ne3A_20 = vector.broadcast %ne3A_19 : i32 to vector<128x32xi32>
    %ne3A_21 = arith.cmpi ne, %rem3A_18, %ne3A_20 : vector<128x32xi32>
    %and3A = arith.andi %ne3A_17, %ne3A_21 : vector<128x32xi1>
    %sub3A = arith.constant 1 : i32
    %sub3A_22 = vector.broadcast %sub3A : i32 to vector<128x32xi32>
    %sub3A_23 = arith.subi %div3A_1, %sub3A_22 : vector<128x32xi32>
    %select_n3A = arith.select %and3A, %sub3A_23, %div3A_1 : vector<128x32xi1>, vector<128x32xi32>
    %eq3A = arith.cmpi eq, %select_n3A, %iota3A_0 : vector<128x32xi32>
    %jit3A_24 = arith.constant 2.500000e-01 : f32
    %jit3A_25 = arith.constant 0.000000e+00 : f32
    %broadcast_in_dim3A = vector.broadcast %jit3A_24 : f32 to vector<128x32xf32>
    %broadcast_in_dim3A_26 = vector.broadcast %jit3A_25 : f32 to vector<128x32xf32>
    %select_n3A_27 = arith.select %eq3A, %broadcast_in_dim3A, %broadcast_in_dim3A_26 : vector<128x32xi1>, vector<128x32xf32>
    %get3A = arith.constant 0 : index
    %get3A_28 = arith.constant 0 : index
    %get3A_29 = vector.load %arg1[%get3A, %get3A_28] : memref<512x128xf32, #tpu.memory_space<vmem>>, vector<512x128xf32>
    %dot_general3A = arith.constant dense<0.000000e+00> : vector<32x512xf32>
    %dot_general3A_30 = tpu.matmul %select_n3A_27, %get3A_29, %dot_general3A {dimension_numbers = #tpu.dot_dimension_numbers<[0], [1], [1], [0], [0, 1, 1, 0], [], []>, precision = #tpu.contract_precision<fp32>, transpose_lhs_hint = false} : vector<128x32xf32>, vector<512x128xf32>, vector<32x512xf32> -> vector<32x512xf32>
    %swap3A = arith.constant 0 : index
    %swap3A_31 = arith.constant 0 : index
    %swap3A_32 = vector.load %arg9[%swap3A, %swap3A_31] : memref<32x4096xf32, #tpu.memory_space<vmem>>, vector<32x512xf32>
    tpu.vector_store %arg9[%swap3A, %swap3A_31], %dot_general3A_30 {strides = array<i32>} : memref<32x4096xf32, #tpu.memory_space<vmem>>, vector<32x512xf32>,
    %get3A_33 = arith.constant 0 : index
    %get3A_34 = arith.constant 0 : index
    %get3A_35 = vector.load %arg2[%get3A_33, %get3A_34] : memref<512x128xf32, #tpu.memory_space<vmem>>, vector<512x128xf32>
    %dot_general3A_36 = arith.constant dense<0.000000e+00> : vector<32x512xf32>
    %dot_general3A_37 = tpu.matmul %select_n3A_27, %get3A_35, %dot_general3A_36 {dimension_numbers = #tpu.dot_dimension_numbers<[0], [1], [1], [0], [0, 1, 1, 0], [], []>, precision = #tpu.contract_precision<fp32>, transpose_lhs_hint = false} : vector<128x32xf32>, vector<512x128xf32>, vector<32x512xf32> -> vector<32x512xf32>
    %swap3A_38 = arith.constant 0 : index
    %swap3A_39 = arith.constant 512 : index
    %swap3A_40 = vector.load %arg9[%swap3A_38, %swap3A_39] : memref<32x4096xf32, #tpu.memory_space<vmem>>, vector<32x512xf32>
    tpu.vector_store %arg9[%swap3A_38, %swap3A_39], %dot_general3A_37 {strides = array<i32>} : memref<32x4096xf32, #tpu.memory_space<vmem>>, vector<32x512xf32>,
    %get3A_41 = arith.constant 0 : index
    %get3A_42 = arith.constant 0 : index
    %get3A_43 = vector.load %arg3[%get3A_41, %get3A_42] : memref<512x128xf32, #tpu.memory_space<vmem>>, vector<512x128xf32>
    %dot_general3A_44 = arith.constant dense<0.000000e+00> : vector<32x512xf32>
    %dot_general3A_45 = tpu.matmul %select_n3A_27, %get3A_43, %dot_general3A_44 {dimension_numbers = #tpu.dot_dimension_numbers<[0], [1], [1], [0], [0, 1, 1, 0], [], []>, precision = #tpu.contract_precision<fp32>, transpose_lhs_hint = false} : vector<128x32xf32>, vector<512x128xf32>, vector<32x512xf32> -> vector<32x512xf32>
    %swap3A_46 = arith.constant 0 : index
    %swap3A_47 = arith.constant 1024 : index
    %swap3A_48 = vector.load %arg9[%swap3A_46, %swap3A_47] : memref<32x4096xf32, #tpu.memory_space<vmem>>, vector<32x512xf32>
    tpu.vector_store %arg9[%swap3A_46, %swap3A_47], %dot_general3A_45 {strides = array<i32>} : memref<32x4096xf32, #tpu.memory_space<vmem>>, vector<32x512xf32>,
    %get3A_49 = arith.constant 0 : index
    %get3A_50 = arith.constant 0 : index
    %get3A_51 = vector.load %arg4[%get3A_49, %get3A_50] : memref<512x128xf32, #tpu.memory_space<vmem>>, vector<512x128xf32>
    %dot_general3A_52 = arith.constant dense<0.000000e+00> : vector<32x512xf32>
    %dot_general3A_53 = tpu.matmul %select_n3A_27, %get3A_51, %dot_general3A_52 {dimension_numbers = #tpu.dot_dimension_numbers<[0], [1], [1], [0], [0, 1, 1, 0], [], []>, precision = #tpu.contract_precision<fp32>, transpose_lhs_hint = false} : vector<128x32xf32>, vector<512x128xf32>, vector<32x512xf32> -> vector<32x512xf32>
    %swap3A_54 = arith.constant 0 : index
    %swap3A_55 = arith.constant 1536 : index
    %swap3A_56 = vector.load %arg9[%swap3A_54, %swap3A_55] : memref<32x4096xf32, #tpu.memory_space<vmem>>, vector<32x512xf32>
    tpu.vector_store %arg9[%swap3A_54, %swap3A_55], %dot_general3A_53 {strides = array<i32>} : memref<32x4096xf32, #tpu.memory_space<vmem>>, vector<32x512xf32>,
    %get3A_57 = arith.constant 0 : index
    %get3A_58 = arith.constant 0 : index
    %get3A_59 = vector.load %arg5[%get3A_57, %get3A_58] : memref<512x128xf32, #tpu.memory_space<vmem>>, vector<512x128xf32>
    %dot_general3A_60 = arith.constant dense<0.000000e+00> : vector<32x512xf32>
    %dot_general3A_61 = tpu.matmul %select_n3A_27, %get3A_59, %dot_general3A_60 {dimension_numbers = #tpu.dot_dimension_numbers<[0], [1], [1], [0], [0, 1, 1, 0], [], []>, precision = #tpu.contract_precision<fp32>, transpose_lhs_hint = false} : vector<128x32xf32>, vector<512x128xf32>, vector<32x512xf32> -> vector<32x512xf32>
    %swap3A_62 = arith.constant 0 : index
    %swap3A_63 = arith.constant 2048 : index
    %swap3A_64 = vector.load %arg9[%swap3A_62, %swap3A_63] : memref<32x4096xf32, #tpu.memory_space<vmem>>, vector<32x512xf32>
    tpu.vector_store %arg9[%swap3A_62, %swap3A_63], %dot_general3A_61 {strides = array<i32>} : memref<32x4096xf32, #tpu.memory_space<vmem>>, vector<32x512xf32>,
    %get3A_65 = arith.constant 0 : index
    %get3A_66 = arith.constant 0 : index
    %get3A_67 = vector.load %arg6[%get3A_65, %get3A_66] : memref<512x128xf32, #tpu.memory_space<vmem>>, vector<512x128xf32>
    %dot_general3A_68 = arith.constant dense<0.000000e+00> : vector<32x512xf32>
    %dot_general3A_69 = tpu.matmul %select_n3A_27, %get3A_67, %dot_general3A_68 {dimension_numbers = #tpu.dot_dimension_numbers<[0], [1], [1], [0], [0, 1, 1, 0], [], []>, precision = #tpu.contract_precision<fp32>, transpose_lhs_hint = false} : vector<128x32xf32>, vector<512x128xf32>, vector<32x512xf32> -> vector<32x512xf32>
    %swap3A_70 = arith.constant 0 : index
    %swap3A_71 = arith.constant 2560 : index
    %swap3A_72 = vector.load %arg9[%swap3A_70, %swap3A_71] : memref<32x4096xf32, #tpu.memory_space<vmem>>, vector<32x512xf32>
    tpu.vector_store %arg9[%swap3A_70, %swap3A_71], %dot_general3A_69 {strides = array<i32>} : memref<32x4096xf32, #tpu.memory_space<vmem>>, vector<32x512xf32>,
    %get3A_73 = arith.constant 0 : index
    %get3A_74 = arith.constant 0 : index
    %get3A_75 = vector.load %arg7[%get3A_73, %get3A_74] : memref<512x128xf32, #tpu.memory_space<vmem>>, vector<512x128xf32>
    %dot_general3A_76 = arith.constant dense<0.000000e+00> : vector<32x512xf32>
    %dot_general3A_77 = tpu.matmul %select_n3A_27, %get3A_75, %dot_general3A_76 {dimension_numbers = #tpu.dot_dimension_numbers<[0], [1], [1], [0], [0, 1, 1, 0], [], []>, precision = #tpu.contract_precision<fp32>, transpose_lhs_hint = false} : vector<128x32xf32>, vector<512x128xf32>, vector<32x512xf32> -> vector<32x512xf32>
    %swap3A_78 = arith.constant 0 : index
    %swap3A_79 = arith.constant 3072 : index
    %swap3A_80 = vector.load %arg9[%swap3A_78, %swap3A_79] : memref<32x4096xf32, #tpu.memory_space<vmem>>, vector<32x512xf32>
    tpu.vector_store %arg9[%swap3A_78, %swap3A_79], %dot_general3A_77 {strides = array<i32>} : memref<32x4096xf32, #tpu.memory_space<vmem>>, vector<32x512xf32>,
    %get3A_81 = arith.constant 0 : index
    %get3A_82 = arith.constant 0 : index
    %get3A_83 = vector.load %arg8[%get3A_81, %get3A_82] : memref<512x128xf32, #tpu.memory_space<vmem>>, vector<512x128xf32>
    %dot_general3A_84 = arith.constant dense<0.000000e+00> : vector<32x512xf32>
    %dot_general3A_85 = tpu.matmul %select_n3A_27, %get3A_83, %dot_general3A_84 {dimension_numbers = #tpu.dot_dimension_numbers<[0], [1], [1], [0], [0, 1, 1, 0], [], []>, precision = #tpu.contract_precision<fp32>, transpose_lhs_hint = false} : vector<128x32xf32>, vector<512x128xf32>, vector<32x512xf32> -> vector<32x512xf32>
    %swap3A_86 = arith.constant 0 : index
    %swap3A_87 = arith.constant 3584 : index
    %swap3A_88 = vector.load %arg9[%swap3A_86, %swap3A_87] : memref<32x4096xf32, #tpu.memory_space<vmem>>, vector<32x512xf32>
    tpu.vector_store %arg9[%swap3A_86, %swap3A_87], %dot_general3A_85 {strides = array<i32>} : memref<32x4096xf32, #tpu.memory_space<vmem>>, vector<32x512xf32>,
    return
  }
  func.func @transform_0(%arg0: i32) -> (i32, i32) {
    %mul3A = arith.constant 8 : i32
    %mul3A_0 = arith.muli %arg0, %mul3A : i32
    %add3A = arith.constant 0 : i32
    %add3A_1 = arith.addi %mul3A_0, %add3A : i32
    %c0_i32 = arith.constant 0 : i32
    %c0_i32_2 = arith.constant 0 : i32
    return %add3A_1, %c0_i32 : i32, i32
  }
  func.func @transform_1(%arg0: i32) -> (i32, i32) {
    %mul3A = arith.constant 8 : i32
    %mul3A_0 = arith.muli %arg0, %mul3A : i32
    %add3A = arith.constant 1 : i32
    %add3A_1 = arith.addi %mul3A_0, %add3A : i32
    %c0_i32 = arith.constant 0 : i32
    %c0_i32_2 = arith.constant 0 : i32
    return %add3A_1, %c0_i32 : i32, i32
  }
  func.func @transform_2(%arg0: i32) -> (i32, i32) {
    %mul3A = arith.constant 8 : i32
    %mul3A_0 = arith.muli %arg0, %mul3A : i32
    %add3A = arith.constant 2 : i32
    %add3A_1 = arith.addi %mul3A_0, %add3A : i32
    %c0_i32 = arith.constant 0 : i32
    %c0_i32_2 = arith.constant 0 : i32
    return %add3A_1, %c0_i32 : i32, i32
  }
  func.func @transform_3(%arg0: i32) -> (i32, i32) {
    %mul3A = arith.constant 8 : i32
    %mul3A_0 = arith.muli %arg0, %mul3A : i32
    %add3A = arith.constant 3 : i32
    %add3A_1 = arith.addi %mul3A_0, %add3A : i32
    %c0_i32 = arith.constant 0 : i32
    %c0_i32_2 = arith.constant 0 : i32
    return %add3A_1, %c0_i32 : i32, i32
  }
  func.func @transform_4(%arg0: i32) -> (i32, i32) {
    %mul3A = arith.constant 8 : i32
    %mul3A_0 = arith.muli %arg0, %mul3A : i32
    %add3A = arith.constant 4 : i32
    %add3A_1 = arith.addi %mul3A_0, %add3A : i32
    %c0_i32 = arith.constant 0 : i32
    %c0_i32_2 = arith.constant 0 : i32
    return %add3A_1, %c0_i32 : i32, i32
  }
  func.func @transform_5(%arg0: i32) -> (i32, i32) {
    %mul3A = arith.constant 8 : i32
    %mul3A_0 = arith.muli %arg0, %mul3A : i32
    %add3A = arith.constant 5 : i32
    %add3A_1 = arith.addi %mul3A_0, %add3A : i32
    %c0_i32 = arith.constant 0 : i32
    %c0_i32_2 = arith.constant 0 : i32
    return %add3A_1, %c0_i32 : i32, i32
  }
  func.func @transform_6(%arg0: i32) -> (i32, i32) {
    %mul3A = arith.constant 8 : i32
    %mul3A_0 = arith.muli %arg0, %mul3A : i32
    %add3A = arith.constant 6 : i32
    %add3A_1 = arith.addi %mul3A_0, %add3A : i32
    %c0_i32 = arith.constant 0 : i32
    %c0_i32_2 = arith.constant 0 : i32
    return %add3A_1, %c0_i32 : i32, i32
  }
  func.func @transform_7(%arg0: i32) -> (i32, i32) {
    %mul3A = arith.constant 8 : i32
    %mul3A_0 = arith.muli %arg0, %mul3A : i32
    %add3A = arith.constant 7 : i32
    %add3A_1 = arith.addi %mul3A_0, %add3A : i32
    %c0_i32 = arith.constant 0 : i32
    %c0_i32_2 = arith.constant 0 : i32
    return %add3A_1, %c0_i32 : i32, i32
  }
  func.func @transform_8(%arg0: i32) -> (i32, i32) {
    %c0_i32 = arith.constant 0 : i32
    %c0_i32_0 = arith.constant 0 : i32
    return %c0_i32, %arg0 : i32, i32
  }
}

</mosaic_0001>

<sc_bundles>
// kernel: _pooled_mean.4.cloned.1.call-start
scs
__scs_entry_jumppad:
0x0: {  	(pc) =	sbr.rel $0x88, $3  }
0x1: {  	(tag) =	ssettag $0x0;
	lr =	simm.s32 $0x1  }
0x2: {  	[smem:$0x3FA0] =	sst lr;
	_ =	strace $0xD0000000  }
0x3: {  	_ = 	snop  }
0x4: {  	_ = 	snop  }
0x5: {  	_ = 	snop  }
0x6: {  	_ = 	snop  }
0x7: {  	_ = 	snop  }
__scs_overlays_trampoline_lowered:
0x8: {  	[smem:$0x3FAF] =	sst s0  }
0x9: {  	[smem:$0x3FB0] =	sst s1  }
0xa: {  	[smem:$0x3FB1] =	sst s2  }
0xb: {  	[smem:$0x3FB2] =	sst s3  }
0xc: {  	[smem:$0x3FB3] =	sst s4  }
0xd: {  	[smem:$0x3FB4] =	sst s5  }
0xe: {  	[smem:$0x3FB5] =	sst s6  }
0xf: {  	[smem:$0x3FB6] =	sst s7  }
0x10: {  	[smem:$0x3FB7] =	sst s8  }
0x11: {  	[smem:$0x3FB8] =	sst s9;
	s0 =	simm.s32 @!p0 $0x0  }
0x12: {  	s1 =	sld [smem:$0x3F9E];
	s0 =	simm.s32 @p0 $0x1  }
0x13: {  	[smem:$0x3FB9] =	sst s0;
	s0 =	simm.s32 @!p1 $0x0  }
0x14: {  	s2 =	sld [smem:$0x3F9D];
	s0 =	simm.s32 @p1 $0x1  }
0x15: {  	[smem:$0x3FBA] =	sst s0;
	s0 =	simm.s32 @!p2 $0x0  }
0x16: {  	s3 =	sld [smem:$0x3FDB];
	s0 =	simm.s32 @p2 $0x1  }
0x17: {  	s4 =	simm.s32 $0x1BF5;
	[smem:$0x3FBC] =	sst s0  }
0x18: {  	s0 =	sld [smem:$0x3F9F];
	_ =	swait.ge [sflag:s4], $0x0  }
0x19: {  	s7 =	sld [smem:$0x3FA0]  }
0x1a: {  	s8 =	sadd.s32 $0xFFFFE003, lr  }
0x1b: {  	s9 =	sadd.s32 $0xFFFFFEF7, lr;
	s5 =	simm.s32 $0xFFFFFFFF;
	p2 =	slt.u32 s8, $0xFFFFF086  }
0x1c: {  	p1 =	slt.u32 s9, $0xF7A;
	s5 =	simm.s32 @!p2 $0x0  }
0x1d: {  	s5 =	simm.s32 @p1 $0x1;
	p0 =	seq.s32 s7, s2  }
0x1e: {  	s7 =	smul.u32 @!p0 $0xF7A, s2;
	p2 =	seq.s32 @!p0 s5, $0x0  }
0x1f: {  	s9 =	smul.u32 $0xF7A, s1;
	s8 =	simm.s32 @!p0 $0x1BF5;
	p2 =	por !p2, p0  }
0x20: {  	[sflag:s8] =	ssyncset.s32 @!p0 $0xFFFFF086;
	s6 =	sadd.s32 @!p0 s3, s7;
	s7 =	simm.s32 @!p0 $0x108  }
0x21: {  	s3 =	sadd.s32 s3, s9;
	s6 =	sadd.s32 @!p0 $0x88, s6;
	s7 =	simm.s32 @p2 $0x1082  }
0x22: {  	[simem:s7], [sflag:s8] =	dma.local @!p0 [hbm:s6], $0xF7A  }
0x23: {  	s9 =	sor.u32 $0xD0000000, s2;
	s6 =	simm.s32 $0x108;
	_ =	swait.ge @!p0 [sflag:s8], $0x0  }
0x24: {  	s3 =	sadd.s32 $0x88, s3;
	s6 =	simm.s32 @!p1 $0x1082;
	[sflag:s4] =	ssyncset.s32 $0xFFFFF086  }
0x25: {  	[simem:s6], [sflag:s4] =	dma.local [hbm:s3], $0xF7A  }
0x26: {  	[smem:$0x3FA0] =	sst s1;
	(tag) =	ssettag s2;
	_ =	strace s9  }
0x27: {  	s1 =	sld [smem:$0x3FB0]  }
0x28: {  	s2 =	sld [smem:$0x3FB1]  }
0x29: {  	s4 =	sld [smem:$0x3FB3]  }
0x2a: {  	p0 =	seq.s32 s5, $0x0;
	s5 =	sld [smem:$0x3FB4]  }
0x2b: {  	s6 =	sld [smem:$0x3FB5]  }
0x2c: {  	s7 =	sld [smem:$0x3FB6]  }
0x2d: {  	s3 =	simm.s32 $0x108;
	s8 =	sld [smem:$0x3FB7]  }
0x2e: {  	s3 =	simm.s32 @!p0 $0x1082;
	s9 =	sld [smem:$0x3FB8]  }
0x2f: {  	lr =	sadd.s32 s0, s3;
	s0 =	sld [smem:$0x3FAF]  }
0x30: {  	s3 =	sld [smem:$0x3FB2]  }
0x31: {  	[smem:$0x3FBB] =	sst s10  }
0x32: {  	s10 =	sld [smem:$0x3FB9];
	_ =	sdelay $0x3  }
0x33: {  	p0 =	seq.s32 s10, $0x1;
	s10 =	sld [smem:$0x3FBB];
	_ =	sdelay $0x3  }
0x34: {  	[smem:$0x3FBB] =	sst s10  }
0x35: {  	s10 =	sld [smem:$0x3FBA];
	_ =	sdelay $0x3  }
0x36: {  	p1 =	seq.s32 s10, $0x1;
	s10 =	sld [smem:$0x3FBB];
	_ =	sdelay $0x3  }
0x37: {  	[smem:$0x3FBB] =	sst s10  }
0x38: {  	s10 =	sld [smem:$0x3FBC]  }
0x39: {  	_ = 	snop;
	(pc) =	sbr.ind lr, $3  }
0x3a: {  	_ = 	snop  }
0x3b: {  	_ = 	snop  }
0x3c: {  	p2 =	seq.s32 s10, $0x1;
	s10 =	sld [smem:$0x3FBB]  }
0x3d: {  	_ =	shalt  }
0x3e: {  	_ =	shalt  }
0x3f: {  	_ =	shalt  }
0x40: {  	_ =	shalt  }
0x41: {  	_ =	shalt  }
0x42: {  	_ =	shalt  }
0x43: {  	_ =	shalt  }
0x44: {  	_ =	shalt  }
0x45: {  	_ =	shalt  }
0x46: {  	_ =	shalt  }
0x47: {  	_ =	shalt  }
0x48: {  	_ =	shalt  }
0x49: {  	_ =	shalt  }
0x4a: {  	_ =	shalt  }
0x4b: {  	_ =	shalt  }
0x4c: {  	_ =	shalt  }
0x4d: {  	_ =	shalt  }
0x4e: {  	_ =	shalt  }
0x4f: {  	_ =	shalt  }
0x50: {  	_ =	shalt  }
0x51: {  	_ =	shalt  }
0x52: {  	_ =	shalt  }
0x53: {  	_ =	shalt  }
0x54: {  	_ =	shalt  }
0x55: {  	_ =	shalt  }
0x56: {  	_ =	shalt  }
0x57: {  	_ =	shalt  }
0x58: {  	_ =	shalt  }
0x59: {  	_ =	shalt  }
0x5a: {  	_ =	shalt  }
0x5b: {  	_ =	shalt  }
0x5c: {  	_ =	shalt  }
0x5d: {  	_ =	shalt  }
0x5e: {  	_ =	shalt  }
0x5f: {  	_ =	shalt  }
0x60: {  	_ =	shalt  }
0x61: {  	_ =	shalt  }
0x62: {  	_ =	shalt  }
0x63: {  	_ =	shalt  }
0x64: {  	_ =	shalt  }
0x65: {  	_ =	shalt  }
0x66: {  	_ =	shalt  }
0x67: {  	_ =	shalt  }
0x68: {  	_ =	shalt  }
0x69: {  	_ =	shalt  }
0x6a: {  	_ =	shalt  }
0x6b: {  	_ =	shalt  }
0x6c: {  	_ =	shalt  }
0x6d: {  	_ =	shalt  }
0x6e: {  	_ =	shalt  }
0x6f: {  	_ =	shalt  }
0x70: {  	_ =	shalt  }
0x71: {  	_ =	shalt  }
0x72: {  	_ =	shalt  }
0x73: {  	_ =	shalt  }
0x74: {  	_ =	shalt  }
0x75: {  	_ =	shalt  }
0x76: {  	_ =	shalt  }
0x77: {  	_ =	shalt  }
0x78: {  	_ =	shalt  }
0x79: {  	_ =	shalt  }
0x7a: {  	_ =	shalt  }
0x7b: {  	_ =	shalt  }
0x7c: {  	_ =	shalt  }
0x7d: {  	_ =	shalt  }
0x7e: {  	_ =	shalt  }
0x7f: {  	_ =	shalt  }
0x80: {  	_ =	shalt  }
0x81: {  	_ =	shalt  }
0x82: {  	_ =	shalt  }
0x83: {  	_ =	shalt  }
0x84: {  	_ =	shalt  }
0x85: {  	_ =	shalt  }
0x86: {  	_ =	shalt  }
0x87: {  	_ =	shalt  }
.Lfunc_end0:
.L_simem_size_0:
called_computation_lowered:
.L_overlay_start_0:
0x88: {  	s2 =	sld [smem:$0x3FD9]  }
0x89: {  	s3 =	sld [smem:$0x3FFE];
	_ =	sdelay $0x1  }
0x8a: {  	s1 =	srdreg.scid  }
0x8b: {  	s0 =	sand.u32 $0x1, s1  }
0x8c: {  	s18 =	sshll.u32 s0, $0xA;
	s2 =	sadd.s32 s3, s2  }
0x8d: {  	s2 =	sadd.s32 s2, s18  }
0x8e: {  	[smem:$0x3FC7] =	sst s2  }
0x8f: {  	_ = 	snop  }
0x90: {  	s2 =	sld [smem:$0x3FC9]  }
0x91: {  	s19 =	sld [smem:$0x3FD0];
	(tm) =	ssettm $0x1  }
0x92: {  	s4 =	sld [smem:$0x3FFB];
	_ =	sdelay $0x3  }
0x93: {  	_ =	strace s4  }
0x94: {  	s4 =	sld [smem:$0x3FFC];
	_ =	sdelay $0x3  }
0x95: {  	_ =	strace s4  }
0x96: {  	s4 =	sld [smem:$0x3FFD];
	_ =	sdelay $0x3  }
0x97: {  	_ =	strace s4  }
0x98: {  	_ =	strace $0x8FFFFFFF  }
0x99: {  	s20 =	sld [smem:$0x3FDB];
	_ =	sdelay $0x1  }
0x9a: {  	s5 =	simm.s32 $_scs_section_size  }
0x9b: {  	s6 =	simm.s32 $_size__tile_overlayer_lowered;
	s7 =	simm.s32 $_tile_overlayer_lowered  }
0x9c: {  	s23 =	simm.s32 $0x1BFF;
	s22 =	sshll.u32 s7, $0x1;
	s4 =	sadd.s32 s5, s20  }
0x9d: {  	s8 =	simm.s32 $0x0;
	s21 =	sshll.u32 s6, $0x1;
	s6 =	sadd.s32 s22, s4  }
0x9e: {  	[timem:s8], [sflag:s23] =	dma.local [hbm:s6], s21  }
0x9f: {  	_ =	swait.ge [sflag:s23], s21  }
0xa0: {  	s5 =	ssub.s32 $0x0, s21;
	[sflag:s23] =	ssyncset.done $0x0  }
0xa1: {  	[sflag:s23] =	ssyncadd.s32 s5;
	_ =	sdelay $0x1  }
0xa2: {  	s24 =	simm.s32 $0x1B8B  }
0xa3: {  	_ =	swait.ge [sflag:s24], $0x1  }
0xa4: {  	[sflag:s24] =	ssyncset.done $0x0  }
0xa5: {  	s25 =	simm.s32 $0x1B8E;
	[sflag:s24] =	ssyncadd.s32 $0xFFFFFFFF  }
0xa6: {  	s26 =	simm.s32 $execute0_lowered;
	[smem:$0x3FD2] =	sst s25  }
0xa7: {  	s5 =	sshll.u32 s26, $0x1;
	_ =	strace $0x80000046;
	[dreg:$0x1] =	wrdreg $0xFFFFFFFF  }
0xa8: {  	s28 =	simm.s32 $_size_execute0_lowered;
	s4 =	sadd.s32 s4, s5;
	[dreg:$0x0] =	wrdreg $0x0  }
0xa9: {  	s5 =	sshll.u32 s28, $0x1;
	[dreg:$0x2] =	wrdreg s4  }
0xaa: {  	[dreg:$0x3] =	wrdreg s5  }
0xab: {  	[dreg:$0x4] =	wrdreg $0xC0  }
0xac: {  	_ =	task [dreg:s8], $0x5FFFF  }
0xad: {  	[dreg:$0x1] =	wrdreg $0xFFFFFFFF  }
0xae: {  	[dreg:$0x0] =	wrdreg $0x60  }
0xaf: {  	[dreg:$0x2] =	wrdreg s2  }
0xb0: {  	[dreg:$0x3] =	wrdreg s19  }
0xb1: {  	[dreg:$0x4] =	wrdreg $0x9  }
0xb2: {  	_ =	task.clear_ibuf [dreg:s8], $0x5FFFF;
	_ =	strace $0x90000046  }
0xb3: {  	s29 =	simm.s32 $0x9;
	_ =	strace $0x80000048  }
0xb4: {  	_ =	swait.ge [sflag:s29], $0x1  }
0xb5: {  	[sflag:s29] =	ssyncadd.s32 $0xFFFFFFFF  }
0xb6: {  	_ =	strace $0x90000048  }
0xb7: {  	_ =	sfence  }
0xb8: {  	s30 =	sld [smem:$0x0];
	_ =	sdelay $0x2  }
0xb9: {  	s31 =	sshll.u32 s1, $0xD;
	s1 =	sshrl.u32 s1, $0x2  }
0xba: {  	s3 =	sand.u32 $0x4000, s31;
	s1 =	sadd.s32 s1, s30  }
0xbb: {  	s0 =	sor.u32 s3, s0;
	s1 =	sshll.u32 s1, $0x11  }
0xbc: {  	s0 =	sor.u32 s1, s0  }
0xbd: {  	s0 =	sadd.s32 $0x8F2B, s0  }
0xbe: {  	[sflag:s0] =	ssyncadd.remote.s32 $0x1  }
0xbf: {  	_ =	sfence.sel $0xFFFF  }
0xc0: {  	[dreg:$0x0] =	wrdreg $0xFFFFFFFF;
	(pc) =	sbr.abs _section_cstart, $3  }
0xc1: {  	[dreg:$0x1] =	wrdreg $0xFFFFFFFF  }
0xc2: {  	_ =	task.clear_ibuf [dreg:s8], $0x2FFFF;
	_ =	strace $0x9FFFFFFF  }
0xc3: {  	(tm) =	ssettm $0x7FFFFFFF  }
tec
execute0_lowered:
.L_overlay_start_1:
0x0: {  	(tag) =	ssettag $0x1  }
0x1: {  	s0 =	rddreg [dreg:$0x0];
	s1 =	srdreg.scid  }
0x2: {  	s7 =	rddreg [dreg:$0x1];
	s2 =	stileid.u32  }
0x3: {  	s12 =	simm.s32 $0x400;
	s13 =	simm.s32 $0x4000;
	s14 =	simm.s32 $0x1000  }
0x4: {  	s15 =	simm.s32 $0x2000;
	s16 =	simm.s32 $0x3000;
	s17 =	simm.s32 $0x1  }
0x5: {  	s18 =	simm.s32 $0x2;
	s19 =	simm.s32 $0x5000;
	s20 =	simm.s32 $0x3  }
0x6: {  	s21 =	simm.s32 $0x6000;
	s22 =	simm.s32 $0x4;
	s23 =	simm.s32 $0x7000  }
0x7: {  	s24 =	simm.s32 $0x5;
	s25 =	simm.s32 $0x6;
	s26 =	simm.s32 $0x7  }
0x8: {  	s28 =	simm.s32 $0x8;
	s29 =	simm.s32 $0x0;
	s1 =	sand.u32 $0x1, s1  }
0x9: {  	s3 =	sshll.u32 s2, $0x8;
	s2 =	simm.s32 $0x0;
	s4 =	sshll.u32 s1, $0x7  }
0xa: {  	v0 =	vlaneseq.u32;
	s1 =	ssub.s32 $0x2, s1;
	[smem:$0x7FF] =	sst s2;
	s5 =	sor.u32 s4, s3  }
0xb: {  	v0 =	vmul.u32 $0x4, v0;
	s31 =	sshrl.u32 s1, $0x1;
	_ =	strace $0x80000047;
	s4 =	sshll.u32 s5, $0x8  }
0xc: {  	s1 =	ssub.s32 s1, s31;
	s8 =	sshll.u32 s5, $0x4;
	s0 =	sadd.s32 s4, s0  }
0xd: {  	v1 =	vor.u32 $0x1, v0;
	s7 =	sadd.s32 s7, s8;
	s11 =	smax.u32 s1, $0x1;
	s3 =	sadd.s32 $0x300000, s0  }
0xe: {  	v2 =	vor.u32 $0x2, v0;
	v3 =	vor.u32 $0x3, v0;
	v4 =	vor.u32 $0x40, v0;
	s4 =	sadd.s32 $0x302000, s0;
	s5 =	sadd.s32 $0x304000, s0;
	s6 =	sadd.s32 $0x306000, s0  }
0xf: {  	v5 =	vor.u32 $0x41, v0;
	v6 =	vor.u32 $0x42, v0;
	v7 =	vor.u32 $0x43, v0;
	s8 =	sadd.s32 $0x200, s7;
	s9 =	sadd.s32 $0x400, s7;
	s10 =	sadd.s32 $0x600, s7  }
.LBB2_1:
0x10: {  	[tilespmem:s2], [sflag:$0x1] =	stream.strided.gather [hbm4b:s3+s12], $0x1000, s13, s12, $0x38;
	[tilespmem:$0x8000] =	vst v63  }
0x11: {  	_ = 	snop  }
0x12: {  	[tilespmem:s14], [sflag:$0x2] =	stream.strided.gather [hbm4b:s4+s12], $0x1000, s13, s12, $0x38;
	[tilespmem:$0x8000] =	vst v63  }
0x13: {  	_ = 	snop  }
0x14: {  	[tilespmem:s15], [sflag:$0x3] =	stream.strided.gather [hbm4b:s5+s12], $0x1000, s13, s12, $0x38;
	[tilespmem:$0x8000] =	vst v63  }
0x15: {  	_ = 	snop  }
0x16: {  	[tilespmem:s16], [sflag:$0x4] =	stream.strided.gather [hbm4b:s6+s12], $0x1000, s13, s12, $0x38;
	[tilespmem:$0x8000] =	vst v63  }
0x17: {  	_ =	swait.ge [sflag:s17], $0x1000  }
0x18: {  	[sflag:s17] =	ssyncset.done $0x0  }
0x19: {  	[sflag:s17] =	ssyncadd.s32 $0xFFFFF000  }
0x1a: {  	v8 =	vld.idx.msk [tilespmem:v1+s2+$0x0], $0xffff  }
0x1b: {  	v9 =	vld.idx.msk [tilespmem:v0+s2+$0x0], $0xffff;
	_ =	sdelay $0x1  }
0x1c: {  	v10 =	vld.idx.msk [tilespmem:v2+s2+$0x0], $0xffff;
	_ =	sdelay $0x1  }
0x1d: {  	v11 =	vld.idx.msk [tilespmem:v3+s2+$0x0], $0xffff  }
0x1e: {  	v8 =	vadd.f32 v8, v9;
	_ =	sdelay $0x1  }
0x1f: {  	v8 =	vadd.f32 v10, v8;
	_ =	sdelay $0x1  }
0x20: {  	v8 =	vadd.f32 v11, v8;
	_ =	sdelay $0x1  }
0x21: {  	v8 =	vmul.f32 $2.500000000e-01, v8  }
0x22: {  	s30 =	simm.s32 $0x4100  }
0x23: {  	[tilespmem:s30+$0xFFFFFF00] =	vst v8  }
0x24: {  	v8 =	vld.idx.msk [tilespmem:v4+s2+$0x0], $0xffff  }
0x25: {  	v9 =	vld.idx.msk [tilespmem:v5+s2+$0x0], $0xffff;
	_ =	sdelay $0x1  }
0x26: {  	v10 =	vld.idx.msk [tilespmem:v6+s2+$0x0], $0xffff;
	_ =	sdelay $0x1  }
0x27: {  	v11 =	vld.idx.msk [tilespmem:v7+s2+$0x0], $0xffff  }
0x28: {  	v8 =	vadd.f32 v9, v8;
	_ =	sdelay $0x1  }
0x29: {  	v8 =	vadd.f32 v10, v8;
	_ =	sdelay $0x1  }
0x2a: {  	v8 =	vadd.f32 v11, v8;
	_ =	sdelay $0x1  }
0x2b: {  	v8 =	vmul.f32 $2.500000000e-01, v8;
	_ =	sdelay $0x1  }
0x2c: {  	[tilespmem:s30+$0xFFFFFF10] =	vst v8  }
0x2d: {  	v8 =	vld.idx.msk [tilespmem:v0+s2+$0x80], $0xffff  }
0x2e: {  	v9 =	vld.idx.msk [tilespmem:v1+s2+$0x80], $0xffff;
	_ =	sdelay $0x1  }
0x2f: {  	v10 =	vld.idx.msk [tilespmem:v2+s2+$0x80], $0xffff;
	_ =	sdelay $0x1  }
0x30: {  	v11 =	vld.idx.msk [tilespmem:v3+s2+$0x80], $0xffff  }
0x31: {  	v8 =	vadd.f32 v9, v8;
	_ =	sdelay $0x1  }
0x32: {  	v8 =	vadd.f32 v10, v8;
	_ =	sdelay $0x1  }
0x33: {  	v8 =	vadd.f32 v11, v8;
	_ =	sdelay $0x1  }
0x34: {  	v8 =	vmul.f32 $2.500000000e-01, v8;
	_ =	sdelay $0x1  }
0x35: {  	[tilespmem:s30+$0xFFFFFF80] =	vst v8  }
0x36: {  	v8 =	vld.idx.msk [tilespmem:v4+s2+$0x80], $0xffff  }
0x37: {  	v9 =	vld.idx.msk [tilespmem:v5+s2+$0x80], $0xffff;
	_ =	sdelay $0x1  }
0x38: {  	v10 =	vld.idx.msk [tilespmem:v6+s2+$0x80], $0xffff;
	_ =	sdelay $0x1  }
0x39: {  	v11 =	vld.idx.msk [tilespmem:v7+s2+$0x80], $0xffff  }
0x3a: {  	v8 =	vadd.f32 v9, v8;
	_ =	sdelay $0x1  }
0x3b: {  	v8 =	vadd.f32 v10, v8;
	_ =	sdelay $0x1  }
0x3c: {  	v8 =	vadd.f32 v11, v8;
	_ =	sdelay $0x1  }
0x3d: {  	v8 =	vmul.f32 $2.500000000e-01, v8;
	_ =	sdelay $0x1  }
0x3e: {  	[tilespmem:s30+$0xFFFFFF90] =	vst v8  }
0x3f: {  	v8 =	vld.idx.msk [tilespmem:v0+s2+$0x100], $0xffff  }
0x40: {  	v9 =	vld.idx.msk [tilespmem:v1+s2+$0x100], $0xffff;
	_ =	sdelay $0x1  }
0x41: {  	v10 =	vld.idx.msk [tilespmem:v2+s2+$0x100], $0xffff;
	_ =	sdelay $0x1  }
0x42: {  	v11 =	vld.idx.msk [tilespmem:v3+s2+$0x100], $0xffff  }
0x43: {  	v8 =	vadd.f32 v9, v8;
	_ =	sdelay $0x1  }
0x44: {  	v8 =	vadd.f32 v10, v8;
	_ =	sdelay $0x1  }
0x45: {  	v8 =	vadd.f32 v11, v8;
	_ =	sdelay $0x1  }
0x46: {  	v8 =	vmul.f32 $2.500000000e-01, v8;
	_ =	sdelay $0x1  }
0x47: {  	[tilespmem:s30+$0x0] =	vst v8  }
0x48: {  	v8 =	vld.idx.msk [tilespmem:v4+s2+$0x100], $0xffff  }
0x49: {  	v9 =	vld.idx.msk [tilespmem:v5+s2+$0x100], $0xffff;
	_ =	sdelay $0x1  }
0x4a: {  	v10 =	vld.idx.msk [tilespmem:v6+s2+$0x100], $0xffff;
	_ =	sdelay $0x1  }
0x4b: {  	v11 =	vld.idx.msk [tilespmem:v7+s2+$0x100], $0xffff  }
0x4c: {  	v8 =	vadd.f32 v9, v8;
	_ =	sdelay $0x1  }
0x4d: {  	v8 =	vadd.f32 v10, v8;
	_ =	sdelay $0x1  }
0x4e: {  	v8 =	vadd.f32 v11, v8;
	_ =	sdelay $0x1  }
0x4f: {  	v8 =	vmul.f32 $2.500000000e-01, v8;
	_ =	sdelay $0x1  }
0x50: {  	[tilespmem:s30+$0x10] =	vst v8  }
0x51: {  	v8 =	vld.idx.msk [tilespmem:v0+s2+$0x180], $0xffff  }
0x52: {  	v9 =	vld.idx.msk [tilespmem:v1+s2+$0x180], $0xffff;
	_ =	sdelay $0x1  }
0x53: {  	v10 =	vld.idx.msk [tilespmem:v2+s2+$0x180], $0xffff;
	_ =	sdelay $0x1  }
0x54: {  	v11 =	vld.idx.msk [tilespmem:v3+s2+$0x180], $0xffff  }
0x55: {  	v8 =	vadd.f32 v9, v8;
	_ =	sdelay $0x1  }
0x56: {  	v8 =	vadd.f32 v10, v8;
	_ =	sdelay $0x1  }
0x57: {  	v8 =	vadd.f32 v11, v8;
	_ =	sdelay $0x1  }
0x58: {  	v8 =	vmul.f32 $2.500000000e-01, v8;
	_ =	sdelay $0x1  }
0x59: {  	[tilespmem:s30+$0x80] =	vst v8  }
0x5a: {  	v10 =	vld.idx.msk [tilespmem:v4+s2+$0x180], $0xffff  }
0x5b: {  	v11 =	vld.idx.msk [tilespmem:v5+s2+$0x180], $0xffff  }
0x5c: {  	v8 =	vld.idx.msk [tilespmem:v6+s2+$0x180], $0xffff  }
0x5d: {  	s0 =	simm.s32 $0x0;
	s1 =	simm.s32 $0x0;
	s31 =	simm.s32 $0x4100;
	v9 =	vld.idx.msk [tilespmem:v7+s2+$0x180], $0xffff  }
.LBB2_2:
0x5e: {  	_ =	sdelay $0x1  }
0x5f: {  	s0 =	sadd.s32 $0x4, s0;
	s1 =	sadd.s32 $0x200, s1;
	s30 =	sadd.s32 $0x200, s30;
	v10 =	vadd.f32 v11, v10  }
0x60: {  	p0 =	slt.u32 s0, $0x1C  }
0x61: {  	v8 =	vadd.f32 v8, v10;
	_ =	sdelay $0x1  }
0x62: {  	v8 =	vadd.f32 v9, v8;
	_ =	sdelay $0x1  }
0x63: {  	v8 =	vmul.f32 $2.500000000e-01, v8;
	_ =	sdelay $0x1  }
0x64: {  	[tilespmem:s31+$0x90] =	vst v8;
	s31 =	smov.u32 s30  }
0x65: {  	v8 =	vld.idx.msk [tilespmem:v1+s1+$0x0], $0xffff  }
0x66: {  	v9 =	vld.idx.msk [tilespmem:v0+s1+$0x0], $0xffff  }
0x67: {  	v10 =	vld.idx.msk [tilespmem:v2+s1+$0x0], $0xffff;
	_ =	sdelay $0x2  }
0x68: {  	v11 =	vld.idx.msk [tilespmem:v3+s1+$0x0], $0xffff;
	_ =	sdelay $0x1  }
0x69: {  	v8 =	vadd.f32 v8, v9;
	_ =	sdelay $0x1  }
0x6a: {  	v8 =	vadd.f32 v10, v8;
	_ =	sdelay $0x1  }
0x6b: {  	v8 =	vadd.f32 v11, v8;
	_ =	sdelay $0x1  }
0x6c: {  	v8 =	vmul.f32 $2.500000000e-01, v8;
	_ =	sdelay $0x1  }
0x6d: {  	[tilespmem:s30+$0xFFFFFF00] =	vst v8  }
0x6e: {  	v8 =	vld.idx.msk [tilespmem:v4+s1+$0x0], $0xffff  }
0x6f: {  	v9 =	vld.idx.msk [tilespmem:v5+s1+$0x0], $0xffff;
	_ =	sdelay $0x1  }
0x70: {  	v10 =	vld.idx.msk [tilespmem:v6+s1+$0x0], $0xffff;
	_ =	sdelay $0x1  }
0x71: {  	v11 =	vld.idx.msk [tilespmem:v7+s1+$0x0], $0xffff;
	_ =	sdelay $0x1  }
0x72: {  	v8 =	vadd.f32 v9, v8;
	_ =	sdelay $0x1  }
0x73: {  	v8 =	vadd.f32 v10, v8;
	_ =	sdelay $0x1  }
0x74: {  	v8 =	vadd.f32 v11, v8;
	_ =	sdelay $0x1  }
0x75: {  	v8 =	vmul.f32 $2.500000000e-01, v8;
	_ =	sdelay $0x1  }
0x76: {  	[tilespmem:s30+$0xFFFFFF10] =	vst v8  }
0x77: {  	v8 =	vld.idx.msk [tilespmem:v0+s1+$0x80], $0xffff  }
0x78: {  	v9 =	vld.idx.msk [tilespmem:v1+s1+$0x80], $0xffff;
	_ =	sdelay $0x1  }
0x79: {  	v10 =	vld.idx.msk [tilespmem:v2+s1+$0x80], $0xffff;
	_ =	sdelay $0x1  }
0x7a: {  	v11 =	vld.idx.msk [tilespmem:v3+s1+$0x80], $0xffff;
	_ =	sdelay $0x1  }
0x7b: {  	v8 =	vadd.f32 v9, v8;
	_ =	sdelay $0x1  }
0x7c: {  	v8 =	vadd.f32 v10, v8;
	_ =	sdelay $0x1  }
0x7d: {  	v8 =	vadd.f32 v11, v8;
	_ =	sdelay $0x1  }
0x7e: {  	v8 =	vmul.f32 $2.500000000e-01, v8;
	_ =	sdelay $0x1  }
0x7f: {  	[tilespmem:s30+$0xFFFFFF80] =	vst v8  }
0x80: {  	v8 =	vld.idx.msk [tilespmem:v4+s1+$0x80], $0xffff  }
0x81: {  	v9 =	vld.idx.msk [tilespmem:v5+s1+$0x80], $0xffff  }
0x82: {  	v10 =	vld.idx.msk [tilespmem:v6+s1+$0x80], $0xffff;
	_ =	sdelay $0x2  }
0x83: {  	v11 =	vld.idx.msk [tilespmem:v7+s1+$0x80], $0xffff;
	_ =	sdelay $0x1  }
0x84: {  	v8 =	vadd.f32 v9, v8;
	_ =	sdelay $0x1  }
0x85: {  	v8 =	vadd.f32 v10, v8;
	_ =	sdelay $0x1  }
0x86: {  	v8 =	vadd.f32 v11, v8;
	_ =	sdelay $0x1  }
0x87: {  	v8 =	vmul.f32 $2.500000000e-01, v8;
	_ =	sdelay $0x1  }
0x88: {  	[tilespmem:s30+$0xFFFFFF90] =	vst v8  }
0x89: {  	v8 =	vld.idx.msk [tilespmem:v0+s1+$0x100], $0xffff  }
0x8a: {  	v9 =	vld.idx.msk [tilespmem:v1+s1+$0x100], $0xffff;
	_ =	sdelay $0x1  }
0x8b: {  	v10 =	vld.idx.msk [tilespmem:v2+s1+$0x100], $0xffff;
	_ =	sdelay $0x1  }
0x8c: {  	v11 =	vld.idx.msk [tilespmem:v3+s1+$0x100], $0xffff;
	_ =	sdelay $0x1  }
0x8d: {  	v8 =	vadd.f32 v9, v8;
	_ =	sdelay $0x1  }
0x8e: {  	v8 =	vadd.f32 v10, v8;
	_ =	sdelay $0x1  }
0x8f: {  	v8 =	vadd.f32 v11, v8;
	_ =	sdelay $0x1  }
0x90: {  	v8 =	vmul.f32 $2.500000000e-01, v8;
	_ =	sdelay $0x1  }
0x91: {  	[tilespmem:s30+$0x0] =	vst v8  }
0x92: {  	v8 =	vld.idx.msk [tilespmem:v4+s1+$0x100], $0xffff  }
0x93: {  	v9 =	vld.idx.msk [tilespmem:v5+s1+$0x100], $0xffff  }
0x94: {  	v10 =	vld.idx.msk [tilespmem:v6+s1+$0x100], $0xffff  }
0x95: {  	v11 =	vld.idx.msk [tilespmem:v7+s1+$0x100], $0xffff;
	_ =	sdelay $0x3  }
0x96: {  	v8 =	vadd.f32 v9, v8;
	_ =	sdelay $0x1  }
0x97: {  	v8 =	vadd.f32 v10, v8;
	_ =	sdelay $0x1  }
0x98: {  	v8 =	vadd.f32 v11, v8;
	_ =	sdelay $0x1  }
0x99: {  	v8 =	vmul.f32 $2.500000000e-01, v8;
	_ =	sdelay $0x1  }
0x9a: {  	[tilespmem:s30+$0x10] =	vst v8  }
0x9b: {  	v8 =	vld.idx.msk [tilespmem:v0+s1+$0x180], $0xffff  }
0x9c: {  	v9 =	vld.idx.msk [tilespmem:v1+s1+$0x180], $0xffff  }
0x9d: {  	v10 =	vld.idx.msk [tilespmem:v2+s1+$0x180], $0xffff  }
0x9e: {  	v11 =	vld.idx.msk [tilespmem:v3+s1+$0x180], $0xffff;
	_ =	sdelay $0x3  }
0x9f: {  	v8 =	vadd.f32 v9, v8;
	_ =	sdelay $0x1  }
0xa0: {  	v8 =	vadd.f32 v10, v8;
	_ =	sdelay $0x1  }
0xa1: {  	v8 =	vadd.f32 v11, v8;
	_ =	sdelay $0x1  }
0xa2: {  	v8 =	vmul.f32 $2.500000000e-01, v8;
	_ =	sdelay $0x1  }
.Ltmp0:
0xa3: {  	[tilespmem:s30+$0x80] =	vst v8;
	(pc) =	sbr.rel @p0 .LBB2_2-.Ltmp0, $4  }
0xa4: {  	v10 =	vld.idx.msk [tilespmem:v4+s1+$0x180], $0xffff  }
0xa5: {  	v11 =	vld.idx.msk [tilespmem:v5+s1+$0x180], $0xffff  }
0xa6: {  	v8 =	vld.idx.msk [tilespmem:v6+s1+$0x180], $0xffff  }
0xa7: {  	v9 =	vld.idx.msk [tilespmem:v7+s1+$0x180], $0xffff  }
0xa8: {  	_ =	sdelay $0x1  }
0xa9: {  	v10 =	vadd.f32 v11, v10;
	_ =	sdelay $0x1  }
0xaa: {  	v8 =	vadd.f32 v8, v10;
	_ =	sdelay $0x1  }
0xab: {  	v8 =	vadd.f32 v9, v8;
	_ =	sdelay $0x1  }
0xac: {  	v8 =	vmul.f32 $2.500000000e-01, v8;
	_ =	sdelay $0x1  }
0xad: {  	[tilespmem:s31+$0x90] =	vst v8  }
0xae: {  	[hbm4b:s7+s2] =	stream.linear.scatter [tilespmem:s13], [sflag:$0x5], $0x1000, $0x38;
	[tilespmem:$0x8000] =	vst v63  }
0xaf: {  	_ =	swait.ge [sflag:s18], $0x1000  }
0xb0: {  	[sflag:s18] =	ssyncset.done $0x0  }
0xb1: {  	s30 =	simm.s32 $0x1180;
	[sflag:s18] =	ssyncadd.s32 $0xFFFFF000  }
0xb2: {  	v8 =	vld.idx.msk [tilespmem:v1+s30+$0xFFFFFE80], $0xffff  }
0xb3: {  	v9 =	vld.idx.msk [tilespmem:v0+s30+$0xFFFFFE80], $0xffff;
	_ =	sdelay $0x1  }
0xb4: {  	v10 =	vld.idx.msk [tilespmem:v2+s30+$0xFFFFFE80], $0xffff;
	_ =	sdelay $0x1  }
0xb5: {  	v11 =	vld.idx.msk [tilespmem:v3+s30+$0xFFFFFE80], $0xffff  }
0xb6: {  	v8 =	vadd.f32 v8, v9;
	_ =	sdelay $0x1  }
0xb7: {  	v8 =	vadd.f32 v10, v8;
	_ =	sdelay $0x1  }
0xb8: {  	v8 =	vadd.f32 v11, v8;
	_ =	sdelay $0x1  }
0xb9: {  	v8 =	vmul.f32 $2.500000000e-01, v8  }
0xba: {  	s31 =	simm.s32 $0x5190  }
0xbb: {  	[tilespmem:s31+$0xFFFFFE70] =	vst v8  }
0xbc: {  	v8 =	vld.idx.msk [tilespmem:v4+s30+$0xFFFFFE80], $0xffff  }
0xbd: {  	v9 =	vld.idx.msk [tilespmem:v5+s30+$0xFFFFFE80], $0xffff;
	_ =	sdelay $0x1  }
0xbe: {  	v10 =	vld.idx.msk [tilespmem:v6+s30+$0xFFFFFE80], $0xffff;
	_ =	sdelay $0x1  }
0xbf: {  	v11 =	vld.idx.msk [tilespmem:v7+s30+$0xFFFFFE80], $0xffff  }
0xc0: {  	v8 =	vadd.f32 v9, v8;
	_ =	sdelay $0x1  }
0xc1: {  	v8 =	vadd.f32 v10, v8;
	_ =	sdelay $0x1  }
0xc2: {  	v8 =	vadd.f32 v11, v8;
	_ =	sdelay $0x1  }
0xc3: {  	v8 =	vmul.f32 $2.500000000e-01, v8;
	_ =	sdelay $0x1  }
0xc4: {  	[tilespmem:s31+$0xFFFFFE80] =	vst v8  }
0xc5: {  	v8 =	vld.idx.msk [tilespmem:v0+s30+$0xFFFFFF00], $0xffff  }
0xc6: {  	v9 =	vld.idx.msk [tilespmem:v1+s30+$0xFFFFFF00], $0xffff;
	_ =	sdelay $0x1  }
0xc7: {  	v10 =	vld.idx.msk [tilespmem:v2+s30+$0xFFFFFF00], $0xffff;
	_ =	sdelay $0x1  }
0xc8: {  	v11 =	vld.idx.msk [tilespmem:v3+s30+$0xFFFFFF00], $0xffff  }
0xc9: {  	v8 =	vadd.f32 v9, v8;
	_ =	sdelay $0x1  }
0xca: {  	v8 =	vadd.f32 v10, v8;
	_ =	sdelay $0x1  }
0xcb: {  	v8 =	vadd.f32 v11, v8;
	_ =	sdelay $0x1  }
0xcc: {  	v8 =	vmul.f32 $2.500000000e-01, v8;
	_ =	sdelay $0x1  }
0xcd: {  	[tilespmem:s31+$0xFFFFFEF0] =	vst v8  }
0xce: {  	v8 =	vld.idx.msk [tilespmem:v4+s30+$0xFFFFFF00], $0xffff  }
0xcf: {  	v9 =	vld.idx.msk [tilespmem:v5+s30+$0xFFFFFF00], $0xffff;
	_ =	sdelay $0x1  }
0xd0: {  	v10 =	vld.idx.msk [tilespmem:v6+s30+$0xFFFFFF00], $0xffff;
	_ =	sdelay $0x1  }
0xd1: {  	v11 =	vld.idx.msk [tilespmem:v7+s30+$0xFFFFFF00], $0xffff  }
0xd2: {  	v8 =	vadd.f32 v9, v8;
	_ =	sdelay $0x1  }
0xd3: {  	v8 =	vadd.f32 v10, v8;
	_ =	sdelay $0x1  }
0xd4: {  	v8 =	vadd.f32 v11, v8;
	_ =	sdelay $0x1  }
0xd5: {  	v8 =	vmul.f32 $2.500000000e-01, v8;
	_ =	sdelay $0x1  }
0xd6: {  	[tilespmem:s31+$0xFFFFFF00] =	vst v8  }
0xd7: {  	v8 =	vld.idx.msk [tilespmem:v0+s30+$0xFFFFFF80], $0xffff  }
0xd8: {  	v9 =	vld.idx.msk [tilespmem:v1+s30+$0xFFFFFF80], $0xffff;
	_ =	sdelay $0x1  }
0xd9: {  	v10 =	vld.idx.msk [tilespmem:v2+s30+$0xFFFFFF80], $0xffff;
	_ =	sdelay $0x1  }
0xda: {  	v11 =	vld.idx.msk [tilespmem:v3+s30+$0xFFFFFF80], $0xffff  }
0xdb: {  	v8 =	vadd.f32 v9, v8;
	_ =	sdelay $0x1  }
0xdc: {  	v8 =	vadd.f32 v10, v8;
	_ =	sdelay $0x1  }
0xdd: {  	v8 =	vadd.f32 v11, v8;
	_ =	sdelay $0x1  }
0xde: {  	v8 =	vmul.f32 $2.500000000e-01, v8;
	_ =	sdelay $0x1  }
0xdf: {  	[tilespmem:s31+$0xFFFFFF70] =	vst v8  }
0xe0: {  	v8 =	vld.idx.msk [tilespmem:v4+s30+$0xFFFFFF80], $0xffff  }
0xe1: {  	v9 =	vld.idx.msk [tilespmem:v5+s30+$0xFFFFFF80], $0xffff;
	_ =	sdelay $0x1  }
0xe2: {  	v10 =	vld.idx.msk [tilespmem:v6+s30+$0xFFFFFF80], $0xffff;
	_ =	sdelay $0x1  }
0xe3: {  	v11 =	vld.idx.msk [tilespmem:v7+s30+$0xFFFFFF80], $0xffff  }
0xe4: {  	v8 =	vadd.f32 v9, v8;
	_ =	sdelay $0x1  }
0xe5: {  	v8 =	vadd.f32 v10, v8;
	_ =	sdelay $0x1  }
0xe6: {  	v8 =	vadd.f32 v11, v8;
	_ =	sdelay $0x1  }
0xe7: {  	v8 =	vmul.f32 $2.500000000e-01, v8;
	_ =	sdelay $0x1  }
0xe8: {  	[tilespmem:s31+$0xFFFFFF80] =	vst v8  }
0xe9: {  	v8 =	vld.idx.msk [tilespmem:v0+s30+$0x0], $0xffff  }
0xea: {  	v9 =	vld.idx.msk [tilespmem:v1+s30+$0x0], $0xffff;
	_ =	sdelay $0x1  }
0xeb: {  	v10 =	vld.idx.msk [tilespmem:v2+s30+$0x0], $0xffff;
	_ =	sdelay $0x1  }
0xec: {  	v11 =	vld.idx.msk [tilespmem:v3+s30+$0x0], $0xffff  }
0xed: {  	v8 =	vadd.f32 v9, v8;
	_ =	sdelay $0x1  }
0xee: {  	v8 =	vadd.f32 v10, v8;
	_ =	sdelay $0x1  }
0xef: {  	v8 =	vadd.f32 v11, v8;
	_ =	sdelay $0x1  }
0xf0: {  	v8 =	vmul.f32 $2.500000000e-01, v8;
	_ =	sdelay $0x1  }
0xf1: {  	[tilespmem:s31+$0xFFFFFFF0] =	vst v8  }
0xf2: {  	v10 =	vld.idx.msk [tilespmem:v4+s30+$0x0], $0xffff  }
0xf3: {  	v11 =	vld.idx.msk [tilespmem:v5+s30+$0x0], $0xffff  }
0xf4: {  	v8 =	vld.idx.msk [tilespmem:v6+s30+$0x0], $0xffff  }
0xf5: {  	s1 =	simm.s32 $0x20;
	s0 =	simm.s32 $0x5190;
	v9 =	vld.idx.msk [tilespmem:v7+s30+$0x0], $0xffff  }
.LBB2_4:
0xf6: {  	_ =	sdelay $0x1  }
0xf7: {  	s1 =	sadd.s32 $0x4, s1;
	s31 =	sadd.s32 $0x200, s31;
	s30 =	sadd.s32 $0x200, s30;
	v10 =	vadd.f32 v11, v10  }
0xf8: {  	p0 =	slt.u32 s1, $0x3C  }
0xf9: {  	v8 =	vadd.f32 v8, v10;
	_ =	sdelay $0x1  }
0xfa: {  	v8 =	vadd.f32 v9, v8;
	_ =	sdelay $0x1  }
0xfb: {  	v8 =	vmul.f32 $2.500000000e-01, v8;
	_ =	sdelay $0x1  }
0xfc: {  	[tilespmem:s0+$0x0] =	vst v8;
	s0 =	smov.u32 s31  }
0xfd: {  	v8 =	vld.idx.msk [tilespmem:v1+s30+$0xFFFFFE80], $0xffff  }
0xfe: {  	v9 =	vld.idx.msk [tilespmem:v0+s30+$0xFFFFFE80], $0xffff  }
0xff: {  	v10 =	vld.idx.msk [tilespmem:v2+s30+$0xFFFFFE80], $0xffff;
	_ =	sdelay $0x2  }
0x100: {  	v11 =	vld.idx.msk [tilespmem:v3+s30+$0xFFFFFE80], $0xffff;
	_ =	sdelay $0x1  }
0x101: {  	v8 =	vadd.f32 v8, v9;
	_ =	sdelay $0x1  }
0x102: {  	v8 =	vadd.f32 v10, v8;
	_ =	sdelay $0x1  }
0x103: {  	v8 =	vadd.f32 v11, v8;
	_ =	sdelay $0x1  }
0x104: {  	v8 =	vmul.f32 $2.500000000e-01, v8;
	_ =	sdelay $0x1  }
0x105: {  	[tilespmem:s31+$0xFFFFFE70] =	vst v8  }
0x106: {  	v8 =	vld.idx.msk [tilespmem:v4+s30+$0xFFFFFE80], $0xffff  }
0x107: {  	v9 =	vld.idx.msk [tilespmem:v5+s30+$0xFFFFFE80], $0xffff;
	_ =	sdelay $0x1  }
0x108: {  	v10 =	vld.idx.msk [tilespmem:v6+s30+$0xFFFFFE80], $0xffff;
	_ =	sdelay $0x1  }
0x109: {  	v11 =	vld.idx.msk [tilespmem:v7+s30+$0xFFFFFE80], $0xffff;
	_ =	sdelay $0x1  }
0x10a: {  	v8 =	vadd.f32 v9, v8;
	_ =	sdelay $0x1  }
0x10b: {  	v8 =	vadd.f32 v10, v8;
	_ =	sdelay $0x1  }
0x10c: {  	v8 =	vadd.f32 v11, v8;
	_ =	sdelay $0x1  }
0x10d: {  	v8 =	vmul.f32 $2.500000000e-01, v8;
	_ =	sdelay $0x1  }
0x10e: {  	[tilespmem:s31+$0xFFFFFE80] =	vst v8  }
0x10f: {  	v8 =	vld.idx.msk [tilespmem:v0+s30+$0xFFFFFF00], $0xffff  }
0x110: {  	v9 =	vld.idx.msk [tilespmem:v1+s30+$0xFFFFFF00], $0xffff;
	_ =	sdelay $0x1  }
0x111: {  	v10 =	vld.idx.msk [tilespmem:v2+s30+$0xFFFFFF00], $0xffff;
	_ =	sdelay $0x1  }
0x112: {  	v11 =	vld.idx.msk [tilespmem:v3+s30+$0xFFFFFF00], $0xffff;
	_ =	sdelay $0x1  }
0x113: {  	v8 =	vadd.f32 v9, v8;
	_ =	sdelay $0x1  }
0x114: {  	v8 =	vadd.f32 v10, v8;
	_ =	sdelay $0x1  }
0x115: {  	v8 =	vadd.f32 v11, v8;
	_ =	sdelay $0x1  }
0x116: {  	v8 =	vmul.f32 $2.500000000e-01, v8;
	_ =	sdelay $0x1  }
0x117: {  	[tilespmem:s31+$0xFFFFFEF0] =	vst v8  }
0x118: {  	v8 =	vld.idx.msk [tilespmem:v4+s30+$0xFFFFFF00], $0xffff  }
0x119: {  	v9 =	vld.idx.msk [tilespmem:v5+s30+$0xFFFFFF00], $0xffff  }
0x11a: {  	v10 =	vld.idx.msk [tilespmem:v6+s30+$0xFFFFFF00], $0xffff;
	_ =	sdelay $0x2  }
0x11b: {  	v11 =	vld.idx.msk [tilespmem:v7+s30+$0xFFFFFF00], $0xffff;
	_ =	sdelay $0x1  }
0x11c: {  	v8 =	vadd.f32 v9, v8;
	_ =	sdelay $0x1  }
0x11d: {  	v8 =	vadd.f32 v10, v8;
	_ =	sdelay $0x1  }
0x11e: {  	v8 =	vadd.f32 v11, v8;
	_ =	sdelay $0x1  }
0x11f: {  	v8 =	vmul.f32 $2.500000000e-01, v8;
	_ =	sdelay $0x1  }
0x120: {  	[tilespmem:s31+$0xFFFFFF00] =	vst v8  }
0x121: {  	v8 =	vld.idx.msk [tilespmem:v0+s30+$0xFFFFFF80], $0xffff  }
0x122: {  	v9 =	vld.idx.msk [tilespmem:v1+s30+$0xFFFFFF80], $0xffff;
	_ =	sdelay $0x1  }
0x123: {  	v10 =	vld.idx.msk [tilespmem:v2+s30+$0xFFFFFF80], $0xffff;
	_ =	sdelay $0x1  }
0x124: {  	v11 =	vld.idx.msk [tilespmem:v3+s30+$0xFFFFFF80], $0xffff;
	_ =	sdelay $0x1  }
0x125: {  	v8 =	vadd.f32 v9, v8;
	_ =	sdelay $0x1  }
0x126: {  	v8 =	vadd.f32 v10, v8;
	_ =	sdelay $0x1  }
0x127: {  	v8 =	vadd.f32 v11, v8;
	_ =	sdelay $0x1  }
0x128: {  	v8 =	vmul.f32 $2.500000000e-01, v8;
	_ =	sdelay $0x1  }
0x129: {  	[tilespmem:s31+$0xFFFFFF70] =	vst v8  }
0x12a: {  	v8 =	vld.idx.msk [tilespmem:v4+s30+$0xFFFFFF80], $0xffff  }
0x12b: {  	v9 =	vld.idx.msk [tilespmem:v5+s30+$0xFFFFFF80], $0xffff  }
0x12c: {  	v10 =	vld.idx.msk [tilespmem:v6+s30+$0xFFFFFF80], $0xffff  }
0x12d: {  	v11 =	vld.idx.msk [tilespmem:v7+s30+$0xFFFFFF80], $0xffff;
	_ =	sdelay $0x3  }
0x12e: {  	v8 =	vadd.f32 v9, v8;
	_ =	sdelay $0x1  }
0x12f: {  	v8 =	vadd.f32 v10, v8;
	_ =	sdelay $0x1  }
0x130: {  	v8 =	vadd.f32 v11, v8;
	_ =	sdelay $0x1  }
0x131: {  	v8 =	vmul.f32 $2.500000000e-01, v8;
	_ =	sdelay $0x1  }
0x132: {  	[tilespmem:s31+$0xFFFFFF80] =	vst v8  }
0x133: {  	v8 =	vld.idx.msk [tilespmem:v0+s30+$0x0], $0xffff  }
0x134: {  	v9 =	vld.idx.msk [tilespmem:v1+s30+$0x0], $0xffff  }
0x135: {  	v10 =	vld.idx.msk [tilespmem:v2+s30+$0x0], $0xffff  }
0x136: {  	v11 =	vld.idx.msk [tilespmem:v3+s30+$0x0], $0xffff;
	_ =	sdelay $0x3  }
0x137: {  	v8 =	vadd.f32 v9, v8;
	_ =	sdelay $0x1  }
0x138: {  	v8 =	vadd.f32 v10, v8;
	_ =	sdelay $0x1  }
0x139: {  	v8 =	vadd.f32 v11, v8;
	_ =	sdelay $0x1  }
0x13a: {  	v8 =	vmul.f32 $2.500000000e-01, v8;
	_ =	sdelay $0x1  }
.Ltmp1:
0x13b: {  	[tilespmem:s31+$0xFFFFFFF0] =	vst v8;
	(pc) =	sbr.rel @p0 .LBB2_4-.Ltmp1, $4  }
0x13c: {  	v10 =	vld.idx.msk [tilespmem:v4+s30+$0x0], $0xffff  }
0x13d: {  	v11 =	vld.idx.msk [tilespmem:v5+s30+$0x0], $0xffff  }
0x13e: {  	v8 =	vld.idx.msk [tilespmem:v6+s30+$0x0], $0xffff  }
0x13f: {  	v9 =	vld.idx.msk [tilespmem:v7+s30+$0x0], $0xffff  }
0x140: {  	_ =	sdelay $0x1  }
0x141: {  	v10 =	vadd.f32 v11, v10;
	_ =	sdelay $0x1  }
0x142: {  	v8 =	vadd.f32 v8, v10;
	_ =	sdelay $0x1  }
0x143: {  	v8 =	vadd.f32 v9, v8;
	_ =	sdelay $0x1  }
0x144: {  	v8 =	vmul.f32 $2.500000000e-01, v8;
	_ =	sdelay $0x1  }
0x145: {  	[tilespmem:s0+$0x0] =	vst v8  }
0x146: {  	[hbm4b:s8+s2] =	stream.linear.scatter [tilespmem:s19], [sflag:$0x6], $0x1000, $0x38;
	[tilespmem:$0x8000] =	vst v63  }
0x147: {  	_ =	swait.ge [sflag:s20], $0x1000  }
0x148: {  	[sflag:s20] =	ssyncset.done $0x0  }
0x149: {  	s30 =	simm.s32 $0x2180;
	[sflag:s20] =	ssyncadd.s32 $0xFFFFF000  }
0x14a: {  	v8 =	vld.idx.msk [tilespmem:v1+s30+$0xFFFFFE80], $0xffff  }
0x14b: {  	v9 =	vld.idx.msk [tilespmem:v0+s30+$0xFFFFFE80], $0xffff;
	_ =	sdelay $0x1  }
0x14c: {  	v10 =	vld.idx.msk [tilespmem:v2+s30+$0xFFFFFE80], $0xffff;
	_ =	sdelay $0x1  }
0x14d: {  	v11 =	vld.idx.msk [tilespmem:v3+s30+$0xFFFFFE80], $0xffff  }
0x14e: {  	v8 =	vadd.f32 v8, v9;
	_ =	sdelay $0x1  }
0x14f: {  	v8 =	vadd.f32 v10, v8;
	_ =	sdelay $0x1  }
0x150: {  	v8 =	vadd.f32 v11, v8;
	_ =	sdelay $0x1  }
0x151: {  	v8 =	vmul.f32 $2.500000000e-01, v8  }
0x152: {  	s31 =	simm.s32 $0x6190  }
0x153: {  	[tilespmem:s31+$0xFFFFFE70] =	vst v8  }
0x154: {  	v8 =	vld.idx.msk [tilespmem:v4+s30+$0xFFFFFE80], $0xffff  }
0x155: {  	v9 =	vld.idx.msk [tilespmem:v5+s30+$0xFFFFFE80], $0xffff;
	_ =	sdelay $0x1  }
0x156: {  	v10 =	vld.idx.msk [tilespmem:v6+s30+$0xFFFFFE80], $0xffff;
	_ =	sdelay $0x1  }
0x157: {  	v11 =	vld.idx.msk [tilespmem:v7+s30+$0xFFFFFE80], $0xffff  }
0x158: {  	v8 =	vadd.f32 v9, v8;
	_ =	sdelay $0x1  }
0x159: {  	v8 =	vadd.f32 v10, v8;
	_ =	sdelay $0x1  }
0x15a: {  	v8 =	vadd.f32 v11, v8;
	_ =	sdelay $0x1  }
0x15b: {  	v8 =	vmul.f32 $2.500000000e-01, v8;
	_ =	sdelay $0x1  }
0x15c: {  	[tilespmem:s31+$0xFFFFFE80] =	vst v8  }
0x15d: {  	v8 =	vld.idx.msk [tilespmem:v0+s30+$0xFFFFFF00], $0xffff  }
0x15e: {  	v9 =	vld.idx.msk [tilespmem:v1+s30+$0xFFFFFF00], $0xffff;
	_ =	sdelay $0x1  }
0x15f: {  	v10 =	vld.idx.msk [tilespmem:v2+s30+$0xFFFFFF00], $0xffff;
	_ =	sdelay $0x1  }
0x160: {  	v11 =	vld.idx.msk [tilespmem:v3+s30+$0xFFFFFF00], $0xffff  }
0x161: {  	v8 =	vadd.f32 v9, v8;
	_ =	sdelay $0x1  }
0x162: {  	v8 =	vadd.f32 v10, v8;
	_ =	sdelay $0x1  }
0x163: {  	v8 =	vadd.f32 v11, v8;
	_ =	sdelay $0x1  }
0x164: {  	v8 =	vmul.f32 $2.500000000e-01, v8;
	_ =	sdelay $0x1  }
0x165: {  	[tilespmem:s31+$0xFFFFFEF0] =	vst v8  }
0x166: {  	v8 =	vld.idx.msk [tilespmem:v4+s30+$0xFFFFFF00], $0xffff  }
0x167: {  	v9 =	vld.idx.msk [tilespmem:v5+s30+$0xFFFFFF00], $0xffff;
	_ =	sdelay $0x1  }
0x168: {  	v10 =	vld.idx.msk [tilespmem:v6+s30+$0xFFFFFF00], $0xffff;
	_ =	sdelay $0x1  }
0x169: {  	v11 =	vld.idx.msk [tilespmem:v7+s30+$0xFFFFFF00], $0xffff  }
0x16a: {  	v8 =	vadd.f32 v9, v8;
	_ =	sdelay $0x1  }
0x16b: {  	v8 =	vadd.f32 v10, v8;
	_ =	sdelay $0x1  }
0x16c: {  	v8 =	vadd.f32 v11, v8;
	_ =	sdelay $0x1  }
0x16d: {  	v8 =	vmul.f32 $2.500000000e-01, v8;
	_ =	sdelay $0x1  }
0x16e: {  	[tilespmem:s31+$0xFFFFFF00] =	vst v8  }
0x16f: {  	v8 =	vld.idx.msk [tilespmem:v0+s30+$0xFFFFFF80], $0xffff  }
0x170: {  	v9 =	vld.idx.msk [tilespmem:v1+s30+$0xFFFFFF80], $0xffff;
	_ =	sdelay $0x1  }
0x171: {  	v10 =	vld.idx.msk [tilespmem:v2+s30+$0xFFFFFF80], $0xffff;
	_ =	sdelay $0x1  }
0x172: {  	v11 =	vld.idx.msk [tilespmem:v3+s30+$0xFFFFFF80], $0xffff  }
0x173: {  	v8 =	vadd.f32 v9, v8;
	_ =	sdelay $0x1  }
0x174: {  	v8 =	vadd.f32 v10, v8;
	_ =	sdelay $0x1  }
0x175: {  	v8 =	vadd.f32 v11, v8;
	_ =	sdelay $0x1  }
0x176: {  	v8 =	vmul.f32 $2.500000000e-01, v8;
	_ =	sdelay $0x1  }
0x177: {  	[tilespmem:s31+$0xFFFFFF70] =	vst v8  }
0x178: {  	v8 =	vld.idx.msk [tilespmem:v4+s30+$0xFFFFFF80], $0xffff  }
0x179: {  	v9 =	vld.idx.msk [tilespmem:v5+s30+$0xFFFFFF80], $0xffff;
	_ =	sdelay $0x1  }
0x17a: {  	v10 =	vld.idx.msk [tilespmem:v6+s30+$0xFFFFFF80], $0xffff;
	_ =	sdelay $0x1  }
0x17b: {  	v11 =	vld.idx.msk [tilespmem:v7+s30+$0xFFFFFF80], $0xffff  }
0x17c: {  	v8 =	vadd.f32 v9, v8;
	_ =	sdelay $0x1  }
0x17d: {  	v8 =	vadd.f32 v10, v8;
	_ =	sdelay $0x1  }
0x17e: {  	v8 =	vadd.f32 v11, v8;
	_ =	sdelay $0x1  }
0x17f: {  	v8 =	vmul.f32 $2.500000000e-01, v8;
	_ =	sdelay $0x1  }
0x180: {  	[tilespmem:s31+$0xFFFFFF80] =	vst v8  }
0x181: {  	v8 =	vld.idx.msk [tilespmem:v0+s30+$0x0], $0xffff  }
0x182: {  	v9 =	vld.idx.msk [tilespmem:v1+s30+$0x0], $0xffff;
	_ =	sdelay $0x1  }
0x183: {  	v10 =	vld.idx.msk [tilespmem:v2+s30+$0x0], $0xffff;
	_ =	sdelay $0x1  }
0x184: {  	v11 =	vld.idx.msk [tilespmem:v3+s30+$0x0], $0xffff  }
0x185: {  	v8 =	vadd.f32 v9, v8;
	_ =	sdelay $0x1  }
0x186: {  	v8 =	vadd.f32 v10, v8;
	_ =	sdelay $0x1  }
0x187: {  	v8 =	vadd.f32 v11, v8;
	_ =	sdelay $0x1  }
0x188: {  	v8 =	vmul.f32 $2.500000000e-01, v8;
	_ =	sdelay $0x1  }
0x189: {  	[tilespmem:s31+$0xFFFFFFF0] =	vst v8  }
0x18a: {  	v10 =	vld.idx.msk [tilespmem:v4+s30+$0x0], $0xffff  }
0x18b: {  	v11 =	vld.idx.msk [tilespmem:v5+s30+$0x0], $0xffff  }
0x18c: {  	v8 =	vld.idx.msk [tilespmem:v6+s30+$0x0], $0xffff  }
0x18d: {  	s1 =	simm.s32 $0x40;
	s0 =	simm.s32 $0x6190;
	v9 =	vld.idx.msk [tilespmem:v7+s30+$0x0], $0xffff  }
.LBB2_6:
0x18e: {  	_ =	sdelay $0x1  }
0x18f: {  	s1 =	sadd.s32 $0x4, s1;
	s31 =	sadd.s32 $0x200, s31;
	s30 =	sadd.s32 $0x200, s30;
	v10 =	vadd.f32 v11, v10  }
0x190: {  	p0 =	slt.u32 s1, $0x5C  }
0x191: {  	v8 =	vadd.f32 v8, v10;
	_ =	sdelay $0x1  }
0x192: {  	v8 =	vadd.f32 v9, v8;
	_ =	sdelay $0x1  }
0x193: {  	v8 =	vmul.f32 $2.500000000e-01, v8;
	_ =	sdelay $0x1  }
0x194: {  	[tilespmem:s0+$0x0] =	vst v8;
	s0 =	smov.u32 s31  }
0x195: {  	v8 =	vld.idx.msk [tilespmem:v1+s30+$0xFFFFFE80], $0xffff  }
0x196: {  	v9 =	vld.idx.msk [tilespmem:v0+s30+$0xFFFFFE80], $0xffff  }
0x197: {  	v10 =	vld.idx.msk [tilespmem:v2+s30+$0xFFFFFE80], $0xffff;
	_ =	sdelay $0x2  }
0x198: {  	v11 =	vld.idx.msk [tilespmem:v3+s30+$0xFFFFFE80], $0xffff;
	_ =	sdelay $0x1  }
0x199: {  	v8 =	vadd.f32 v8, v9;
	_ =	sdelay $0x1  }
0x19a: {  	v8 =	vadd.f32 v10, v8;
	_ =	sdelay $0x1  }
0x19b: {  	v8 =	vadd.f32 v11, v8;
	_ =	sdelay $0x1  }
0x19c: {  	v8 =	vmul.f32 $2.500000000e-01, v8;
	_ =	sdelay $0x1  }
0x19d: {  	[tilespmem:s31+$0xFFFFFE70] =	vst v8  }
0x19e: {  	v8 =	vld.idx.msk [tilespmem:v4+s30+$0xFFFFFE80], $0xffff  }
0x19f: {  	v9 =	vld.idx.msk [tilespmem:v5+s30+$0xFFFFFE80], $0xffff;
	_ =	sdelay $0x1  }
0x1a0: {  	v10 =	vld.idx.msk [tilespmem:v6+s30+$0xFFFFFE80], $0xffff;
	_ =	sdelay $0x1  }
0x1a1: {  	v11 =	vld.idx.msk [tilespmem:v7+s30+$0xFFFFFE80], $0xffff;
	_ =	sdelay $0x1  }
0x1a2: {  	v8 =	vadd.f32 v9, v8;
	_ =	sdelay $0x1  }
0x1a3: {  	v8 =	vadd.f32 v10, v8;
	_ =	sdelay $0x1  }
0x1a4: {  	v8 =	vadd.f32 v11, v8;
	_ =	sdelay $0x1  }
0x1a5: {  	v8 =	vmul.f32 $2.500000000e-01, v8;
	_ =	sdelay $0x1  }
0x1a6: {  	[tilespmem:s31+$0xFFFFFE80] =	vst v8  }
0x1a7: {  	v8 =	vld.idx.msk [tilespmem:v0+s30+$0xFFFFFF00], $0xffff  }
0x1a8: {  	v9 =	vld.idx.msk [tilespmem:v1+s30+$0xFFFFFF00], $0xffff;
	_ =	sdelay $0x1  }
0x1a9: {  	v10 =	vld.idx.msk [tilespmem:v2+s30+$0xFFFFFF00], $0xffff;
	_ =	sdelay $0x1  }
0x1aa: {  	v11 =	vld.idx.msk [tilespmem:v3+s30+$0xFFFFFF00], $0xffff;
	_ =	sdelay $0x1  }
0x1ab: {  	v8 =	vadd.f32 v9, v8;
	_ =	sdelay $0x1  }
0x1ac: {  	v8 =	vadd.f32 v10, v8;
	_ =	sdelay $0x1  }
0x1ad: {  	v8 =	vadd.f32 v11, v8;
	_ =	sdelay $0x1  }
0x1ae: {  	v8 =	vmul.f32 $2.500000000e-01, v8;
	_ =	sdelay $0x1  }
0x1af: {  	[tilespmem:s31+$0xFFFFFEF0] =	vst v8  }
0x1b0: {  	v8 =	vld.idx.msk [tilespmem:v4+s30+$0xFFFFFF00], $0xffff  }
0x1b1: {  	v9 =	vld.idx.msk [tilespmem:v5+s30+$0xFFFFFF00], $0xffff  }
0x1b2: {  	v10 =	vld.idx.msk [tilespmem:v6+s30+$0xFFFFFF00], $0xffff;
	_ =	sdelay $0x2  }
0x1b3: {  	v11 =	vld.idx.msk [tilespmem:v7+s30+$0xFFFFFF00], $0xffff;
	_ =	sdelay $0x1  }
0x1b4: {  	v8 =	vadd.f32 v9, v8;
	_ =	sdelay $0x1  }
0x1b5: {  	v8 =	vadd.f32 v10, v8;
	_ =	sdelay $0x1  }
0x1b6: {  	v8 =	vadd.f32 v11, v8;
	_ =	sdelay $0x1  }
0x1b7: {  	v8 =	vmul.f32 $2.500000000e-01, v8;
	_ =	sdelay $0x1  }
0x1b8: {  	[tilespmem:s31+$0xFFFFFF00] =	vst v8  }
0x1b9: {  	v8 =	vld.idx.msk [tilespmem:v0+s30+$0xFFFFFF80], $0xffff  }
0x1ba: {  	v9 =	vld.idx.msk [tilespmem:v1+s30+$0xFFFFFF80], $0xffff;
	_ =	sdelay $0x1  }
0x1bb: {  	v10 =	vld.idx.msk [tilespmem:v2+s30+$0xFFFFFF80], $0xffff;
	_ =	sdelay $0x1  }
0x1bc: {  	v11 =	vld.idx.msk [tilespmem:v3+s30+$0xFFFFFF80], $0xffff;
	_ =	sdelay $0x1  }
0x1bd: {  	v8 =	vadd.f32 v9, v8;
	_ =	sdelay $0x1  }
0x1be: {  	v8 =	vadd.f32 v10, v8;
	_ =	sdelay $0x1  }
0x1bf: {  	v8 =	vadd.f32 v11, v8;
	_ =	sdelay $0x1  }
0x1c0: {  	v8 =	vmul.f32 $2.500000000e-01, v8;
	_ =	sdelay $0x1  }
0x1c1: {  	[tilespmem:s31+$0xFFFFFF70] =	vst v8  }
0x1c2: {  	v8 =	vld.idx.msk [tilespmem:v4+s30+$0xFFFFFF80], $0xffff  }
0x1c3: {  	v9 =	vld.idx.msk [tilespmem:v5+s30+$0xFFFFFF80], $0xffff  }
0x1c4: {  	v10 =	vld.idx.msk [tilespmem:v6+s30+$0xFFFFFF80], $0xffff  }
0x1c5: {  	v11 =	vld.idx.msk [tilespmem:v7+s30+$0xFFFFFF80], $0xffff;
	_ =	sdelay $0x3  }
0x1c6: {  	v8 =	vadd.f32 v9, v8;
	_ =	sdelay $0x1  }
0x1c7: {  	v8 =	vadd.f32 v10, v8;
	_ =	sdelay $0x1  }
0x1c8: {  	v8 =	vadd.f32 v11, v8;
	_ =	sdelay $0x1  }
0x1c9: {  	v8 =	vmul.f32 $2.500000000e-01, v8;
	_ =	sdelay $0x1  }
0x1ca: {  	[tilespmem:s31+$0xFFFFFF80] =	vst v8  }
0x1cb: {  	v8 =	vld.idx.msk [tilespmem:v0+s30+$0x0], $0xffff  }
0x1cc: {  	v9 =	vld.idx.msk [tilespmem:v1+s30+$0x0], $0xffff  }
0x1cd: {  	v10 =	vld.idx.msk [tilespmem:v2+s30+$0x0], $0xffff  }
0x1ce: {  	v11 =	vld.idx.msk [tilespmem:v3+s30+$0x0], $0xffff;
	_ =	sdelay $0x3  }
0x1cf: {  	v8 =	vadd.f32 v9, v8;
	_ =	sdelay $0x1  }
0x1d0: {  	v8 =	vadd.f32 v10, v8;
	_ =	sdelay $0x1  }
0x1d1: {  	v8 =	vadd.f32 v11, v8;
	_ =	sdelay $0x1  }
0x1d2: {  	v8 =	vmul.f32 $2.500000000e-01, v8;
	_ =	sdelay $0x1  }
.Ltmp2:
0x1d3: {  	[tilespmem:s31+$0xFFFFFFF0] =	vst v8;
	(pc) =	sbr.rel @p0 .LBB2_6-.Ltmp2, $4  }
0x1d4: {  	v10 =	vld.idx.msk [tilespmem:v4+s30+$0x0], $0xffff  }
0x1d5: {  	v11 =	vld.idx.msk [tilespmem:v5+s30+$0x0], $0xffff  }
0x1d6: {  	v8 =	vld.idx.msk [tilespmem:v6+s30+$0x0], $0xffff  }
0x1d7: {  	v9 =	vld.idx.msk [tilespmem:v7+s30+$0x0], $0xffff  }
0x1d8: {  	_ =	sdelay $0x1  }
0x1d9: {  	v10 =	vadd.f32 v11, v10;
	_ =	sdelay $0x1  }
0x1da: {  	v8 =	vadd.f32 v8, v10;
	_ =	sdelay $0x1  }
0x1db: {  	v8 =	vadd.f32 v9, v8;
	_ =	sdelay $0x1  }
0x1dc: {  	v8 =	vmul.f32 $2.500000000e-01, v8;
	_ =	sdelay $0x1  }
0x1dd: {  	[tilespmem:s0+$0x0] =	vst v8  }
0x1de: {  	[hbm4b:s9+s2] =	stream.linear.scatter [tilespmem:s21], [sflag:$0x7], $0x1000, $0x38;
	[tilespmem:$0x8000] =	vst v63  }
0x1df: {  	_ =	swait.ge [sflag:s22], $0x1000  }
0x1e0: {  	[sflag:s22] =	ssyncset.done $0x0  }
0x1e1: {  	s30 =	simm.s32 $0x3180;
	[sflag:s22] =	ssyncadd.s32 $0xFFFFF000  }
0x1e2: {  	v8 =	vld.idx.msk [tilespmem:v1+s30+$0xFFFFFE80], $0xffff  }
0x1e3: {  	v9 =	vld.idx.msk [tilespmem:v0+s30+$0xFFFFFE80], $0xffff;
	_ =	sdelay $0x1  }
0x1e4: {  	v10 =	vld.idx.msk [tilespmem:v2+s30+$0xFFFFFE80], $0xffff;
	_ =	sdelay $0x1  }
0x1e5: {  	v11 =	vld.idx.msk [tilespmem:v3+s30+$0xFFFFFE80], $0xffff  }
0x1e6: {  	v8 =	vadd.f32 v8, v9;
	_ =	sdelay $0x1  }
0x1e7: {  	v8 =	vadd.f32 v10, v8;
	_ =	sdelay $0x1  }
0x1e8: {  	v8 =	vadd.f32 v11, v8;
	_ =	sdelay $0x1  }
0x1e9: {  	v8 =	vmul.f32 $2.500000000e-01, v8  }
0x1ea: {  	s31 =	simm.s32 $0x7190  }
0x1eb: {  	[tilespmem:s31+$0xFFFFFE70] =	vst v8  }
0x1ec: {  	v8 =	vld.idx.msk [tilespmem:v4+s30+$0xFFFFFE80], $0xffff  }
0x1ed: {  	v9 =	vld.idx.msk [tilespmem:v5+s30+$0xFFFFFE80], $0xffff;
	_ =	sdelay $0x1  }
0x1ee: {  	v10 =	vld.idx.msk [tilespmem:v6+s30+$0xFFFFFE80], $0xffff;
	_ =	sdelay $0x1  }
0x1ef: {  	v11 =	vld.idx.msk [tilespmem:v7+s30+$0xFFFFFE80], $0xffff  }
0x1f0: {  	v8 =	vadd.f32 v9, v8;
	_ =	sdelay $0x1  }
0x1f1: {  	v8 =	vadd.f32 v10, v8;
	_ =	sdelay $0x1  }
0x1f2: {  	v8 =	vadd.f32 v11, v8;
	_ =	sdelay $0x1  }
0x1f3: {  	v8 =	vmul.f32 $2.500000000e-01, v8;
	_ =	sdelay $0x1  }
0x1f4: {  	[tilespmem:s31+$0xFFFFFE80] =	vst v8  }
0x1f5: {  	v8 =	vld.idx.msk [tilespmem:v0+s30+$0xFFFFFF00], $0xffff  }
0x1f6: {  	v9 =	vld.idx.msk [tilespmem:v1+s30+$0xFFFFFF00], $0xffff;
	_ =	sdelay $0x1  }
0x1f7: {  	v10 =	vld.idx.msk [tilespmem:v2+s30+$0xFFFFFF00], $0xffff;
	_ =	sdelay $0x1  }
0x1f8: {  	v11 =	vld.idx.msk [tilespmem:v3+s30+$0xFFFFFF00], $0xffff  }
0x1f9: {  	v8 =	vadd.f32 v9, v8;
	_ =	sdelay $0x1  }
0x1fa: {  	v8 =	vadd.f32 v10, v8;
	_ =	sdelay $0x1  }
0x1fb: {  	v8 =	vadd.f32 v11, v8;
	_ =	sdelay $0x1  }
0x1fc: {  	v8 =	vmul.f32 $2.500000000e-01, v8;
	_ =	sdelay $0x1  }
0x1fd: {  	[tilespmem:s31+$0xFFFFFEF0] =	vst v8  }
0x1fe: {  	v8 =	vld.idx.msk [tilespmem:v4+s30+$0xFFFFFF00], $0xffff  }
0x1ff: {  	v9 =	vld.idx.msk [tilespmem:v5+s30+$0xFFFFFF00], $0xffff;
	_ =	sdelay $0x1  }
0x200: {  	v10 =	vld.idx.msk [tilespmem:v6+s30+$0xFFFFFF00], $0xffff;
	_ =	sdelay $0x1  }
0x201: {  	v11 =	vld.idx.msk [tilespmem:v7+s30+$0xFFFFFF00], $0xffff  }
0x202: {  	v8 =	vadd.f32 v9, v8;
	_ =	sdelay $0x1  }
0x203: {  	v8 =	vadd.f32 v10, v8;
	_ =	sdelay $0x1  }
0x204: {  	v8 =	vadd.f32 v11, v8;
	_ =	sdelay $0x1  }
0x205: {  	v8 =	vmul.f32 $2.500000000e-01, v8;
	_ =	sdelay $0x1  }
0x206: {  	[tilespmem:s31+$0xFFFFFF00] =	vst v8  }
0x207: {  	v8 =	vld.idx.msk [tilespmem:v0+s30+$0xFFFFFF80], $0xffff  }
0x208: {  	v9 =	vld.idx.msk [tilespmem:v1+s30+$0xFFFFFF80], $0xffff;
	_ =	sdelay $0x1  }
0x209: {  	v10 =	vld.idx.msk [tilespmem:v2+s30+$0xFFFFFF80], $0xffff;
	_ =	sdelay $0x1  }
0x20a: {  	v11 =	vld.idx.msk [tilespmem:v3+s30+$0xFFFFFF80], $0xffff  }
0x20b: {  	v8 =	vadd.f32 v9, v8;
	_ =	sdelay $0x1  }
0x20c: {  	v8 =	vadd.f32 v10, v8;
	_ =	sdelay $0x1  }
0x20d: {  	v8 =	vadd.f32 v11, v8;
	_ =	sdelay $0x1  }
0x20e: {  	v8 =	vmul.f32 $2.500000000e-01, v8;
	_ =	sdelay $0x1  }
0x20f: {  	[tilespmem:s31+$0xFFFFFF70] =	vst v8  }
0x210: {  	v8 =	vld.idx.msk [tilespmem:v4+s30+$0xFFFFFF80], $0xffff  }
0x211: {  	v9 =	vld.idx.msk [tilespmem:v5+s30+$0xFFFFFF80], $0xffff;
	_ =	sdelay $0x1  }
0x212: {  	v10 =	vld.idx.msk [tilespmem:v6+s30+$0xFFFFFF80], $0xffff;
	_ =	sdelay $0x1  }
0x213: {  	v11 =	vld.idx.msk [tilespmem:v7+s30+$0xFFFFFF80], $0xffff  }
0x214: {  	v8 =	vadd.f32 v9, v8;
	_ =	sdelay $0x1  }
0x215: {  	v8 =	vadd.f32 v10, v8;
	_ =	sdelay $0x1  }
0x216: {  	v8 =	vadd.f32 v11, v8;
	_ =	sdelay $0x1  }
0x217: {  	v8 =	vmul.f32 $2.500000000e-01, v8;
	_ =	sdelay $0x1  }
0x218: {  	[tilespmem:s31+$0xFFFFFF80] =	vst v8  }
0x219: {  	v8 =	vld.idx.msk [tilespmem:v0+s30+$0x0], $0xffff  }
0x21a: {  	v9 =	vld.idx.msk [tilespmem:v1+s30+$0x0], $0xffff;
	_ =	sdelay $0x1  }
0x21b: {  	v10 =	vld.idx.msk [tilespmem:v2+s30+$0x0], $0xffff;
	_ =	sdelay $0x1  }
0x21c: {  	v11 =	vld.idx.msk [tilespmem:v3+s30+$0x0], $0xffff  }
0x21d: {  	v8 =	vadd.f32 v9, v8;
	_ =	sdelay $0x1  }
0x21e: {  	v8 =	vadd.f32 v10, v8;
	_ =	sdelay $0x1  }
0x21f: {  	v8 =	vadd.f32 v11, v8;
	_ =	sdelay $0x1  }
0x220: {  	v8 =	vmul.f32 $2.500000000e-01, v8;
	_ =	sdelay $0x1  }
0x221: {  	[tilespmem:s31+$0xFFFFFFF0] =	vst v8  }
0x222: {  	v10 =	vld.idx.msk [tilespmem:v4+s30+$0x0], $0xffff  }
0x223: {  	v11 =	vld.idx.msk [tilespmem:v5+s30+$0x0], $0xffff  }
0x224: {  	v8 =	vld.idx.msk [tilespmem:v6+s30+$0x0], $0xffff  }
0x225: {  	s1 =	simm.s32 $0x60;
	s0 =	simm.s32 $0x7190;
	v9 =	vld.idx.msk [tilespmem:v7+s30+$0x0], $0xffff  }
.LBB2_8:
0x226: {  	_ =	sdelay $0x1  }
0x227: {  	s1 =	sadd.s32 $0x4, s1;
	s31 =	sadd.s32 $0x200, s31;
	s30 =	sadd.s32 $0x200, s30;
	v10 =	vadd.f32 v11, v10  }
0x228: {  	p0 =	slt.u32 s1, $0x7C  }
0x229: {  	v8 =	vadd.f32 v8, v10;
	_ =	sdelay $0x1  }
0x22a: {  	v8 =	vadd.f32 v9, v8;
	_ =	sdelay $0x1  }
0x22b: {  	v8 =	vmul.f32 $2.500000000e-01, v8;
	_ =	sdelay $0x1  }
0x22c: {  	[tilespmem:s0+$0x0] =	vst v8;
	s0 =	smov.u32 s31  }
0x22d: {  	v8 =	vld.idx.msk [tilespmem:v1+s30+$0xFFFFFE80], $0xffff  }
0x22e: {  	v9 =	vld.idx.msk [tilespmem:v0+s30+$0xFFFFFE80], $0xffff  }
0x22f: {  	v10 =	vld.idx.msk [tilespmem:v2+s30+$0xFFFFFE80], $0xffff;
	_ =	sdelay $0x2  }
0x230: {  	v11 =	vld.idx.msk [tilespmem:v3+s30+$0xFFFFFE80], $0xffff;
	_ =	sdelay $0x1  }
0x231: {  	v8 =	vadd.f32 v8, v9;
	_ =	sdelay $0x1  }
0x232: {  	v8 =	vadd.f32 v10, v8;
	_ =	sdelay $0x1  }
0x233: {  	v8 =	vadd.f32 v11, v8;
	_ =	sdelay $0x1  }
0x234: {  	v8 =	vmul.f32 $2.500000000e-01, v8;
	_ =	sdelay $0x1  }
0x235: {  	[tilespmem:s31+$0xFFFFFE70] =	vst v8  }
0x236: {  	v8 =	vld.idx.msk [tilespmem:v4+s30+$0xFFFFFE80], $0xffff  }
0x237: {  	v9 =	vld.idx.msk [tilespmem:v5+s30+$0xFFFFFE80], $0xffff;
	_ =	sdelay $0x1  }
0x238: {  	v10 =	vld.idx.msk [tilespmem:v6+s30+$0xFFFFFE80], $0xffff;
	_ =	sdelay $0x1  }
0x239: {  	v11 =	vld.idx.msk [tilespmem:v7+s30+$0xFFFFFE80], $0xffff;
	_ =	sdelay $0x1  }
0x23a: {  	v8 =	vadd.f32 v9, v8;
	_ =	sdelay $0x1  }
0x23b: {  	v8 =	vadd.f32 v10, v8;
	_ =	sdelay $0x1  }
0x23c: {  	v8 =	vadd.f32 v11, v8;
	_ =	sdelay $0x1  }
0x23d: {  	v8 =	vmul.f32 $2.500000000e-01, v8;
	_ =	sdelay $0x1  }
0x23e: {  	[tilespmem:s31+$0xFFFFFE80] =	vst v8  }
0x23f: {  	v8 =	vld.idx.msk [tilespmem:v0+s30+$0xFFFFFF00], $0xffff  }
0x240: {  	v9 =	vld.idx.msk [tilespmem:v1+s30+$0xFFFFFF00], $0xffff;
	_ =	sdelay $0x1  }
0x241: {  	v10 =	vld.idx.msk [tilespmem:v2+s30+$0xFFFFFF00], $0xffff;
	_ =	sdelay $0x1  }
0x242: {  	v11 =	vld.idx.msk [tilespmem:v3+s30+$0xFFFFFF00], $0xffff;
	_ =	sdelay $0x1  }
0x243: {  	v8 =	vadd.f32 v9, v8;
	_ =	sdelay $0x1  }
0x244: {  	v8 =	vadd.f32 v10, v8;
	_ =	sdelay $0x1  }
0x245: {  	v8 =	vadd.f32 v11, v8;
	_ =	sdelay $0x1  }
0x246: {  	v8 =	vmul.f32 $2.500000000e-01, v8;
	_ =	sdelay $0x1  }
0x247: {  	[tilespmem:s31+$0xFFFFFEF0] =	vst v8  }
0x248: {  	v8 =	vld.idx.msk [tilespmem:v4+s30+$0xFFFFFF00], $0xffff  }
0x249: {  	v9 =	vld.idx.msk [tilespmem:v5+s30+$0xFFFFFF00], $0xffff  }
0x24a: {  	v10 =	vld.idx.msk [tilespmem:v6+s30+$0xFFFFFF00], $0xffff;
	_ =	sdelay $0x2  }
0x24b: {  	v11 =	vld.idx.msk [tilespmem:v7+s30+$0xFFFFFF00], $0xffff;
	_ =	sdelay $0x1  }
0x24c: {  	v8 =	vadd.f32 v9, v8;
	_ =	sdelay $0x1  }
0x24d: {  	v8 =	vadd.f32 v10, v8;
	_ =	sdelay $0x1  }
0x24e: {  	v8 =	vadd.f32 v11, v8;
	_ =	sdelay $0x1  }
0x24f: {  	v8 =	vmul.f32 $2.500000000e-01, v8;
	_ =	sdelay $0x1  }
0x250: {  	[tilespmem:s31+$0xFFFFFF00] =	vst v8  }
0x251: {  	v8 =	vld.idx.msk [tilespmem:v0+s30+$0xFFFFFF80], $0xffff  }
0x252: {  	v9 =	vld.idx.msk [tilespmem:v1+s30+$0xFFFFFF80], $0xffff;
	_ =	sdelay $0x1  }
0x253: {  	v10 =	vld.idx.msk [tilespmem:v2+s30+$0xFFFFFF80], $0xffff;
	_ =	sdelay $0x1  }
0x254: {  	v11 =	vld.idx.msk [tilespmem:v3+s30+$0xFFFFFF80], $0xffff;
	_ =	sdelay $0x1  }
0x255: {  	v8 =	vadd.f32 v9, v8;
	_ =	sdelay $0x1  }
0x256: {  	v8 =	vadd.f32 v10, v8;
	_ =	sdelay $0x1  }
0x257: {  	v8 =	vadd.f32 v11, v8;
	_ =	sdelay $0x1  }
0x258: {  	v8 =	vmul.f32 $2.500000000e-01, v8;
	_ =	sdelay $0x1  }
0x259: {  	[tilespmem:s31+$0xFFFFFF70] =	vst v8  }
0x25a: {  	v8 =	vld.idx.msk [tilespmem:v4+s30+$0xFFFFFF80], $0xffff  }
0x25b: {  	v9 =	vld.idx.msk [tilespmem:v5+s30+$0xFFFFFF80], $0xffff  }
0x25c: {  	v10 =	vld.idx.msk [tilespmem:v6+s30+$0xFFFFFF80], $0xffff  }
0x25d: {  	v11 =	vld.idx.msk [tilespmem:v7+s30+$0xFFFFFF80], $0xffff;
	_ =	sdelay $0x3  }
0x25e: {  	v8 =	vadd.f32 v9, v8;
	_ =	sdelay $0x1  }
0x25f: {  	v8 =	vadd.f32 v10, v8;
	_ =	sdelay $0x1  }
0x260: {  	v8 =	vadd.f32 v11, v8;
	_ =	sdelay $0x1  }
0x261: {  	v8 =	vmul.f32 $2.500000000e-01, v8;
	_ =	sdelay $0x1  }
0x262: {  	[tilespmem:s31+$0xFFFFFF80] =	vst v8  }
0x263: {  	v8 =	vld.idx.msk [tilespmem:v0+s30+$0x0], $0xffff  }
0x264: {  	v9 =	vld.idx.msk [tilespmem:v1+s30+$0x0], $0xffff  }
0x265: {  	v10 =	vld.idx.msk [tilespmem:v2+s30+$0x0], $0xffff  }
0x266: {  	v11 =	vld.idx.msk [tilespmem:v3+s30+$0x0], $0xffff;
	_ =	sdelay $0x3  }
0x267: {  	v8 =	vadd.f32 v9, v8;
	_ =	sdelay $0x1  }
0x268: {  	v8 =	vadd.f32 v10, v8;
	_ =	sdelay $0x1  }
0x269: {  	v8 =	vadd.f32 v11, v8;
	_ =	sdelay $0x1  }
0x26a: {  	v8 =	vmul.f32 $2.500000000e-01, v8;
	_ =	sdelay $0x1  }
.Ltmp3:
0x26b: {  	[tilespmem:s31+$0xFFFFFFF0] =	vst v8;
	(pc) =	sbr.rel @p0 .LBB2_8-.Ltmp3, $4  }
0x26c: {  	v10 =	vld.idx.msk [tilespmem:v4+s30+$0x0], $0xffff  }
0x26d: {  	v11 =	vld.idx.msk [tilespmem:v5+s30+$0x0], $0xffff  }
0x26e: {  	v8 =	vld.idx.msk [tilespmem:v6+s30+$0x0], $0xffff  }
0x26f: {  	v9 =	vld.idx.msk [tilespmem:v7+s30+$0x0], $0xffff  }
0x270: {  	_ =	sdelay $0x1  }
0x271: {  	v10 =	vadd.f32 v11, v10;
	_ =	sdelay $0x1  }
0x272: {  	v8 =	vadd.f32 v8, v10;
	_ =	sdelay $0x1  }
0x273: {  	v8 =	vadd.f32 v9, v8;
	_ =	sdelay $0x1  }
0x274: {  	v8 =	vmul.f32 $2.500000000e-01, v8;
	_ =	sdelay $0x1  }
0x275: {  	[tilespmem:s0+$0x0] =	vst v8  }
0x276: {  	[hbm4b:s10+s2] =	stream.linear.scatter [tilespmem:s23], [sflag:$0x8], $0x1000, $0x38;
	[tilespmem:$0x8000] =	vst v63  }
0x277: {  	_ =	swait.ge [sflag:s24], $0x1000  }
0x278: {  	[sflag:s24] =	ssyncset.done $0x0  }
0x279: {  	[sflag:s24] =	ssyncadd.s32 $0xFFFFF000  }
0x27a: {  	_ =	swait.ge [sflag:s25], $0x1000  }
0x27b: {  	[sflag:s25] =	ssyncset.done $0x0  }
0x27c: {  	s29 =	sadd.s32 $0x1, s29;
	[sflag:s25] =	ssyncadd.s32 $0xFFFFF000  }
0x27d: {  	p0 =	sne.s32 s29, s11;
	_ =	swait.ge [sflag:s26], $0x1000  }
.Ltmp4:
0x27e: {  	[sflag:s26] =	ssyncset.done $0x0;
	(pc) =	sbr.rel @p0 .LBB2_1-.Ltmp4, $4  }
0x27f: {  	[sflag:s26] =	ssyncadd.s32 $0xFFFFF000  }
0x280: {  	_ =	swait.ge [sflag:s28], $0x1000  }
0x281: {  	[sflag:s28] =	ssyncset.done $0x0  }
0x282: {  	[sflag:s28] =	ssyncadd.s32 $0xFFFFF000  }
0x283: {  	_ =	sfence.sel $0x180000  }
0x284: {  	[bflag:$0x0] =	sbarrier.arrive $0xFFFF  }
0x285: {  	_ =	strace $0x90000047  }
0x286: {  	s0 =	stileid.u32;
	[bflag:$0x2] =	sbarrier.arrive $0xFFFF  }
0x287: {  	p0 =	sne.s32 s0, $0x0;
	s0 =	rddreg [dreg:$0x2]  }
0x288: {  	s0 =	sadd.s32 @!p0 $0x100000, s0  }
0x289: {  	[sflag:s0] =	ssyncadd.tile.s32 @!p0 $0x1;
	_ =	shalt  }
.Lfunc_end2:
_tile_overlayer_lowered:
.L_overlay_start_2:
0x28a: {  	(tag) =	ssettag $0x2  }
0x28b: {  	s0 =	rddreg [dreg:$0x0];
	s2 =	stileid.u32  }
0x28c: {  	s1 =	rddreg [dreg:$0x1];
	p0 =	sne.s32 s2, $0x0  }
0x28d: {  	s3 =	rddreg [dreg:$0x2];
	[bflag:$0x3] =	sbarrier.arrive $0xFFFF;
	s2 =	simm.s32 @!p0 $0x1C09  }
0x28e: {  	[timem:s3], [sflag:s2] =	dma.local @!p0 [hbm:s0], s1  }
0x28f: {  	s0 =	simm.s32 @!p0 $0x9  }
0x290: {  	_ =	swait.ge @!p0 [sflag:s0], s1  }
0x291: {  	s1 =	ssub.s32 @!p0 $0x0, s1;
	[sflag:s0] =	ssyncset.done @!p0 $0x0  }
0x292: {  	[sflag:s0] =	ssyncadd.s32 @!p0 s1  }
0x293: {  	[bflag:$0x3] =	sbarrier.arrive $0xFFFF  }
0x294: {  	_ =	shalt  }

</sc_bundles>
